<compile_context>
chip_gen: v7x
topology: tpu7x:2x2x1
jax: 0.10.2.dev20260603
libtpu: 0.0.44.dev20260713+nightly
codegen_flags: <defaults>
</compile_context>

<pallas_src>
import functools

import jax
import jax.numpy as jnp
from jax import lax
from jax.experimental import pallas as pl
from jax.experimental.pallas import tpu as pltpu
from jax.experimental.pallas import tpu_sc as plsc

N = 10000
IMG_SIZE = 6000
H = 8
DH = 16

ROWS = 6016
E_PAD = 161792
EPT = E_PAD // 16
CHUNK = 64
NCHUNK = EPT // CHUNK
RPT = ROWS // 16



def _proj_body(x_ref, w_ref, b_ref, o_ref):
    o_ref[...] = jnp.dot(x_ref[...], w_ref[...],
                         preferred_element_type=jnp.float32) + b_ref[...]


def _proj(x, W, b, bm=1000):
    m, k = x.shape
    return pl.pallas_call(
        _proj_body,
        grid=(m // bm,),
        in_specs=[
            pl.BlockSpec((bm, k), lambda i: (i, 0)),
            pl.BlockSpec((k, 128), lambda i: (0, 0)),
            pl.BlockSpec((128,), lambda i: (0,)),
        ],
        out_specs=pl.BlockSpec((bm, 128), lambda i: (i, 0)),
        out_shape=jax.ShapeDtypeStruct((m, 128), jnp.float32),
    )(x, W, b)


def _prep_body(h_ref, w_ref, al_ref, ar_ref, wh_ref, el_ref, er_ref):
    wh = jnp.dot(h_ref[...], w_ref[...], preferred_element_type=jnp.float32)
    wh_ref[...] = wh
    el_ref[...] = jnp.dot(wh, al_ref[...], preferred_element_type=jnp.float32)
    er_ref[...] = jnp.dot(wh, ar_ref[...], preferred_element_type=jnp.float32)


def _prep(hp, W, AlM, ArM, bm=376):
    spec = pl.BlockSpec((bm, 128), lambda i: (i, 0))
    wspec = pl.BlockSpec((128, 128), lambda i: (0, 0))
    out = jax.ShapeDtypeStruct((ROWS, 128), jnp.float32)
    return pl.pallas_call(
        _prep_body,
        grid=(ROWS // bm,),
        in_specs=[spec, wspec, wspec, wspec],
        out_specs=[spec, spec, spec],
        out_shape=[out, out, out],
    )(hp, W, AlM, ArM)


def _head_mat(a):
    m = jnp.zeros((H, DH, 128), jnp.float32)
    m = m.at[jnp.arange(H)[:, None], jnp.arange(DH)[None, :],
             jnp.arange(H)[:, None]].set(a)
    return m.reshape(128, 128)



def _zero_phase(idx_s, idx_d, elv, erv, exv, whv, acc_sh, gsem):
    sub = lax.axis_index("s")
    zv = jnp.zeros((16,), jnp.float32)

    def zwh(i, c):
        whv[i // 8, pl.ds((i % 8) * 16, 16)] = zv
        exv[i // 8, pl.ds((i % 8) * 16, 16)] = zv
        return c
    lax.fori_loop(0, CHUNK * 8, zwh, 0)


def _zero_acc(whv, acc_sh):
    sub = lax.axis_index("s")

    def zsh(j, c):
        blk = sub + j * 16

        @pl.when(blk < ROWS // CHUNK)
        def _():
            pltpu.sync_copy(whv, acc_sh.at[pl.ds(blk * CHUNK, CHUNK)])
        return c
    lax.fori_loop(0, (ROWS // CHUNK + 15) // 16, zsh, 0)


def _edge_pass(scale_wh, src_h, dst_h, el_h, er_h, wh_h,
               idx_s, idx_d, elv, erv, exv, whv, acc_sh, gsem):
    sub = lax.axis_index("s")

    def chunk(k, c):
        base = sub * EPT + k * CHUNK
        pltpu.sync_copy(src_h.at[pl.ds(base, CHUNK)], idx_s)
        pltpu.sync_copy(dst_h.at[pl.ds(base, CHUNK)], idx_d)
        pltpu.async_copy(el_h.at[idx_s], elv, gsem).wait()
        pltpu.async_copy(er_h.at[idx_d], erv, gsem).wait()
        if scale_wh:
            pltpu.async_copy(wh_h.at[idx_s], whv, gsem).wait()

        def edge(e, cc):
            x = elv[e, pl.ds(0, 16)] + erv[e, pl.ds(0, 16)]
            ex = jnp.exp(jnp.maximum(x, x * 0.2))
            if scale_wh:
                for hh in range(H):
                    s = ex[hh]
                    whv[e, pl.ds(hh * 16, 16)] = whv[e, pl.ds(hh * 16, 16)] * s
            else:
                exv[e, pl.ds(0, 16)] = ex
            return cc
        lax.fori_loop(0, CHUNK, edge, 0)

        if scale_wh:
            pltpu.sync_copy(whv, acc_sh.at[idx_d], add=True)
        else:
            pltpu.sync_copy(exv, acc_sh.at[idx_d], add=True)
        return c
    lax.fori_loop(0, NCHUNK, chunk, 0)


def _dump_acc(out_h, acc_sh):
    sub = lax.axis_index("s")
    r0 = sub * RPT
    pltpu.sync_copy(acc_sh.at[pl.ds(r0, RPT)], out_h.at[pl.ds(r0, RPT)])


_EDGE_KERNEL_CFG = dict(
    out_type=[
        jax.ShapeDtypeStruct((ROWS, 128), jnp.float32),
        jax.ShapeDtypeStruct((ROWS, 128), jnp.float32),
        jax.ShapeDtypeStruct((ROWS, 128), jnp.float32),
        jax.ShapeDtypeStruct((ROWS, 128), jnp.float32),
    ],
    scratch_types=[
        pltpu.VMEM((CHUNK,), jnp.int32),
        pltpu.VMEM((CHUNK,), jnp.int32),
        pltpu.VMEM((CHUNK, 128), jnp.float32),
        pltpu.VMEM((CHUNK, 128), jnp.float32),
        pltpu.VMEM((CHUNK, 128), jnp.float32),
        pltpu.VMEM((CHUNK, 128), jnp.float32),
        pltpu.VMEM_SHARED((ROWS, 128), jnp.float32),
        pltpu.SemaphoreType.DMA,
    ],
)


def _edge_body(src0, dst0, el0, er0, wh0, src1, dst1, el1, er1, wh1,
               num0, den0, num1, den1,
               idx_s, idx_d, elv, erv, exv, whv, acc_sh, gsem):
    core = lax.axis_index("c")
    _zero_phase(idx_s, idx_d, elv, erv, exv, whv, acc_sh, gsem)
    _zero_acc(whv, acc_sh)
    plsc.subcore_barrier()

    for scale in (False, True):
        @pl.when(core == 0)
        def _():
            _edge_pass(scale, src0, dst0, el0, er0, wh0,
                       idx_s, idx_d, elv, erv, exv, whv, acc_sh, gsem)

        @pl.when(core == 1)
        def _():
            _edge_pass(scale, src1, dst1, el1, er1, wh1,
                       idx_s, idx_d, elv, erv, exv, whv, acc_sh, gsem)

        plsc.subcore_barrier()

        if not scale:
            @pl.when(core == 0)
            def _():
                _dump_acc(den0, acc_sh)

            @pl.when(core == 1)
            def _():
                _dump_acc(den1, acc_sh)

            plsc.subcore_barrier()
            _zero_acc(whv, acc_sh)
            plsc.subcore_barrier()
        else:
            @pl.when(core == 0)
            def _():
                _dump_acc(num0, acc_sh)

            @pl.when(core == 1)
            def _():
                _dump_acc(num1, acc_sh)


_edge_kernel = pl.kernel(_edge_body, mesh=plsc.VectorSubcoreMesh(
    core_axis_name="c", subcore_axis_name="s"), **_EDGE_KERNEL_CFG)


def _pad_edges(src, dst):
    pad = E_PAD - src.shape[0]
    src = jnp.concatenate([src, jnp.zeros((pad,), jnp.int32)])
    dst = jnp.concatenate([dst, jnp.full((pad,), IMG_SIZE, jnp.int32)])
    return src, dst


def _gat_tables(hs, W, al, ar):
    n = hs.shape[0]
    hp = jnp.pad(hs, ((0, ROWS - n), (0, 0)))
    whp, el16, er16 = _prep(hp, W, _head_mat(al), _head_mat(ar))
    return el16, er16, whp


def _gat_out(num, den, b, n):
    denr = jnp.broadcast_to(den[:n, :H, None], (n, H, DH)).reshape(n, 128)
    return jax.nn.elu(num[:n] / (denr + 1e-9) + b.reshape(1, 128))


def kernel(img_obj_feat, img_rel_feat, text_obj_feat, text_rel_feat, img_rel, text_tuple, text_word_rel, fc_o_W, fc_o_b, fc_r_W, fc_r_b, fc_w_W, fc_w_b, fc_p_W, fc_p_b, gat0_W, gat0_al, gat0_ar, gat0_b, gat1_W, gat1_al, gat1_ar, gat1_b, sa_W1, sa_b1, sa_W2, pred_W, pred_b, vc_W, vc_b, tc_W, tc_b, ntn_W, ntn_U_W, ntn_U_b, s1_W, s1_b, s2_W, s2_b, s3_W, s3_b):
    h = jnp.concatenate([
        _proj(img_obj_feat, fc_o_W, fc_o_b),
        _proj(img_rel_feat, fc_r_W, fc_r_b),
        _proj(text_obj_feat, fc_w_W, fc_w_b),
        _proj(text_rel_feat, fc_p_W, fc_p_b),
    ], axis=0)

    el0, er0, wh0 = _gat_tables(h[:IMG_SIZE], gat0_W, gat0_al, gat0_ar)
    el1, er1, wh1 = _gat_tables(h[IMG_SIZE:], gat1_W, gat1_al, gat1_ar)

    src0, dst0 = _pad_edges(img_rel[0], img_rel[1])
    src1, dst1 = _pad_edges(
        jnp.concatenate([text_tuple[0], text_word_rel[0]]),
        jnp.concatenate([text_tuple[1], text_word_rel[1]]))

    num0, den0, num1, den1 = _edge_kernel(
        src0, dst0, el0, er0, wh0, src1, dst1, el1, er1, wh1)

    z0a = _gat_out(num0, den0, gat0_b, IMG_SIZE)
    z1a = _gat_out(num1, den1, gat1_b, N - IMG_SIZE)
    cb0 = jax.nn.elu(gat0_b.reshape(1, 128))
    cb1 = jax.nn.elu(gat1_b.reshape(1, 128))
    z0 = jnp.concatenate([z0a, jnp.broadcast_to(cb0, (N - IMG_SIZE, 128))])
    z1 = jnp.concatenate([jnp.broadcast_to(cb1, (IMG_SIZE, 128)), z1a])

    z = jnp.stack([z0, z1], axis=1)
    w = jnp.tanh(z @ sa_W1 + sa_b1) @ sa_W2
    beta = jax.nn.softmax(w.mean(axis=0), axis=0)
    sem = (beta[None] * z).sum(axis=1)
    pred = sem @ pred_W + pred_b
    pred_v = pred[:IMG_SIZE]
    c_v = jnp.tanh(pred_v.mean(axis=0, keepdims=True) @ vc_W + vc_b)
    s_v = jax.nn.sigmoid((pred_v @ c_v.T).squeeze())
    g_v = s_v[None, :] @ pred_v
    pred_t = pred[IMG_SIZE:]
    c_t = jnp.tanh(pred_t.mean(axis=0, keepdims=True) @ tc_W + tc_b)
    s_t = jax.nn.sigmoid((pred_t @ c_t.T).squeeze())
    g_t = s_t[None, :] @ pred_t
    x = jnp.einsum("bi,kij,bj->bk", g_v, ntn_W, g_t) + jnp.concatenate([g_v, g_t], axis=1) @ ntn_U_W + ntn_U_b
    x = jnp.tanh(x)
    x = jax.nn.relu(x @ s1_W + s1_b)
    x = jax.nn.relu(x @ s2_W + s2_b)
    return x @ s3_W + s3_b

# --- scband reference (transcript-rebuilt; emitter-appended) ---
"""Pipeline reference for scband-hsgmp-3246995275873 (READ-ONLY COPY).

The authoritative reference and input builder live on the scoring server;
editing this copy changes nothing except your own understanding.
"""

import jax, jax.numpy as jnp
import numpy as np

N = 10000
IMG_SIZE = 6000
H = 8
DH = 16

_PARAM_SHAPES = {
    "fc_o_W": (2048, 128), "fc_o_b": (128,),
    "fc_r_W": (512, 128), "fc_r_b": (128,),
    "fc_w_W": (300, 128), "fc_w_b": (128,),
    "fc_p_W": (300, 128), "fc_p_b": (128,),
    "gat0_W": (128, 128), "gat0_al": (8, 16), "gat0_ar": (8, 16), "gat0_b": (8, 16),
    "gat1_W": (128, 128), "gat1_al": (8, 16), "gat1_ar": (8, 16), "gat1_b": (8, 16),
    "sa_W1": (128, 128), "sa_b1": (128,), "sa_W2": (128, 1),
    "pred_W": (128, 64), "pred_b": (64,),
    "vc_W": (64, 64), "vc_b": (64,),
    "tc_W": (64, 64), "tc_b": (64,),
    "ntn_W": (16, 64, 64), "ntn_U_W": (128, 16), "ntn_U_b": (16,),
    "s1_W": (16, 8), "s1_b": (8,), "s2_W": (8, 4), "s2_b": (4,), "s3_W": (4, 1), "s3_b": (1,),
}


def setup_inputs(seed: int = 0):
    key = jax.random.key(seed)
    ks = jax.random.split(key, 8)
    inp = {
        "img_obj_feat": jax.random.normal(ks[0], (4000, 2048), dtype=jnp.float32),
        "img_rel_feat": jax.random.normal(ks[1], (2000, 512), dtype=jnp.float32),
        "text_obj_feat": jax.random.normal(ks[2], (3000, 300), dtype=jnp.float32),
        "text_rel_feat": jax.random.normal(ks[3], (1000, 300), dtype=jnp.float32),
        "img_rel": jax.random.randint(ks[4], (2, 160000), 0, 6000, dtype=jnp.int32),
        "text_tuple": jax.random.randint(ks[5], (2, 80000), 0, 4000, dtype=jnp.int32),
        "text_word_rel": jax.random.randint(ks[6], (2, 80000), 0, 4000, dtype=jnp.int32),
    }
    pk = jax.random.key(1)
    for i, (name, shape) in enumerate(_PARAM_SHAPES.items()):
        inp[name] = jax.random.normal(jax.random.fold_in(pk, i), shape, dtype=jnp.float32) * 0.02
    return inp


def _gat(h, src, dst, W, al, ar, b):
    Wh = (h @ W).reshape(N, H, DH)
    el = jnp.sum(Wh * al[None], axis=-1)
    er = jnp.sum(Wh * ar[None], axis=-1)
    e = jax.nn.leaky_relu(el[src] + er[dst], negative_slope=0.2)
    m = jax.ops.segment_max(e, dst, num_segments=N)
    m = jnp.where(jnp.isfinite(m), m, 0.0)
    ex = jnp.exp(e - m[dst])
    den = jax.ops.segment_sum(ex, dst, num_segments=N)
    alpha = ex / (den[dst] + 1e-9)
    out = jax.ops.segment_sum(alpha[:, :, None] * Wh[src], dst, num_segments=N)
    out = out + b[None]
    return jax.nn.elu(out).reshape(N, H * DH)


def _forward(io, ir, to, tr, e_img, e_tt, e_twr, p):
    h = jnp.concatenate([
        io @ p["fc_o_W"] + p["fc_o_b"],
        ir @ p["fc_r_W"] + p["fc_r_b"],
        to @ p["fc_w_W"] + p["fc_w_b"],
        tr @ p["fc_p_W"] + p["fc_p_b"],
    ], axis=0)
    e2 = jnp.concatenate([e_tt, e_twr], axis=1) + IMG_SIZE
    z0 = _gat(h, e_img[0], e_img[1], p["gat0_W"], p["gat0_al"], p["gat0_ar"], p["gat0_b"])
    z1 = _gat(h, e2[0], e2[1], p["gat1_W"], p["gat1_al"], p["gat1_ar"], p["gat1_b"])
    z = jnp.stack([z0, z1], axis=1)
    w = jnp.tanh(z @ p["sa_W1"] + p["sa_b1"]) @ p["sa_W2"]
    beta = jax.nn.softmax(w.mean(axis=0), axis=0)
    sem = (beta[None] * z).sum(axis=1)
    pred = sem @ p["pred_W"] + p["pred_b"]
    pred_v = pred[:IMG_SIZE]
    c_v = jnp.tanh(pred_v.mean(axis=0, keepdims=True) @ p["vc_W"] + p["vc_b"])
    s_v = jax.nn.sigmoid((pred_v @ c_v.T).squeeze())
    g_v = s_v[None, :] @ pred_v
    pred_t = pred[IMG_SIZE:]
    c_t = jnp.tanh(pred_t.mean(axis=0, keepdims=True) @ p["tc_W"] + p["tc_b"])
    s_t = jax.nn.sigmoid((pred_t @ c_t.T).squeeze())
    g_t = s_t[None, :] @ pred_t
    x = jnp.einsum("bi,kij,bj->bk", g_v, p["ntn_W"], g_t) + jnp.concatenate([g_v, g_t], axis=1) @ p["ntn_U_W"] + p["ntn_U_b"]
    x = jnp.tanh(x)
    x = jax.nn.relu(x @ p["s1_W"] + p["s1_b"])
    x = jax.nn.relu(x @ p["s2_W"] + p["s2_b"])
    return x @ p["s3_W"] + p["s3_b"]


def reference(img_obj_feat, img_rel_feat, text_obj_feat, text_rel_feat, img_rel, text_tuple, text_word_rel,
              fc_o_W, fc_o_b, fc_r_W, fc_r_b, fc_w_W, fc_w_b, fc_p_W, fc_p_b,
              gat0_W, gat0_al, gat0_ar, gat0_b, gat1_W, gat1_al, gat1_ar, gat1_b,
              sa_W1, sa_b1, sa_W2, pred_W, pred_b, vc_W, vc_b, tc_W, tc_b,
              ntn_W, ntn_U_W, ntn_U_b, s1_W, s1_b, s2_W, s2_b, s3_W, s3_b):
    p = {
        "fc_o_W": fc_o_W, "fc_o_b": fc_o_b,
        "fc_r_W": fc_r_W, "fc_r_b": fc_r_b,
        "fc_w_W": fc_w_W, "fc_w_b": fc_w_b,
        "fc_p_W": fc_p_W, "fc_p_b": fc_p_b,
        "gat0_W": gat0_W, "gat0_al": gat0_al, "gat0_ar": gat0_ar, "gat0_b": gat0_b,
        "gat1_W": gat1_W, "gat1_al": gat1_al, "gat1_ar": gat1_ar, "gat1_b": gat1_b,
        "sa_W1": sa_W1, "sa_b1": sa_b1, "sa_W2": sa_W2,
        "pred_W": pred_W, "pred_b": pred_b,
        "vc_W": vc_W, "vc_b": vc_b,
        "tc_W": tc_W, "tc_b": tc_b,
        "ntn_W": ntn_W, "ntn_U_W": ntn_U_W, "ntn_U_b": ntn_U_b,
        "s1_W": s1_W, "s1_b": s1_b, "s2_W": s2_W, "s2_b": s2_b, "s3_W": s3_W, "s3_b": s3_b,
    }
    return _forward(img_obj_feat, img_rel_feat, text_obj_feat, text_rel_feat, img_rel, text_tuple, text_word_rel, p)

if __name__ == "__main__":
    import jax
    _d = setup_inputs()
    print(jax.jit(kernel)(*tuple(_d.values())))

</pallas_src>

<mosaic_0001>
#map = affine_map<(d0, d1) -> (0)>
#map1 = affine_map<(d0, d1) -> (0, 0)>
module attributes {stable_mosaic.version = 14 : i64} {
  func.func @_edge_body(%arg0: i32, %arg1: i32, %arg2: memref<161792xi32, #tpu.memory_space<hbm>>, %arg3: memref<161792xi32, #tpu.memory_space<hbm>>, %arg4: memref<6016x128xf32, #tpu.memory_space<hbm>>, %arg5: memref<6016x128xf32, #tpu.memory_space<hbm>>, %arg6: memref<6016x128xf32, #tpu.memory_space<hbm>>, %arg7: memref<161792xi32, #tpu.memory_space<hbm>>, %arg8: memref<161792xi32, #tpu.memory_space<hbm>>, %arg9: memref<6016x128xf32, #tpu.memory_space<hbm>>, %arg10: memref<6016x128xf32, #tpu.memory_space<hbm>>, %arg11: memref<6016x128xf32, #tpu.memory_space<hbm>>, %arg12: memref<6016x128xf32, #tpu.memory_space<hbm>>, %arg13: memref<6016x128xf32, #tpu.memory_space<hbm>>, %arg14: memref<6016x128xf32, #tpu.memory_space<hbm>>, %arg15: memref<6016x128xf32, #tpu.memory_space<hbm>>, %arg16: memref<64xi32, #tpu.memory_space<vmem>>, %arg17: memref<64xi32, #tpu.memory_space<vmem>>, %arg18: memref<64x128xf32, #tpu.memory_space<vmem>>, %arg19: memref<64x128xf32, #tpu.memory_space<vmem>>, %arg20: memref<64x128xf32, #tpu.memory_space<vmem>>, %arg21: memref<64x128xf32, #tpu.memory_space<vmem>>, %arg22: memref<6016x128xf32, #tpu.memory_space<vmem_shared>>, %arg23: memref<!tpu.dma_semaphore, #tpu.memory_space<semaphore_mem>>) attributes {dimension_semantics = [#tpu.dimension_semantics<core_parallel>, #tpu.dimension_semantics<subcore_parallel>], iteration_bounds = array<i64: 2, 16>, scalar_prefetch = 0 : i64, scratch_operands = 8 : i64, tpu.core_type = #tpu.core_type<sc_vector_subcore>, window_params = [{transform_indices = #map}, {transform_indices = #map}, {transform_indices = #map1}, {transform_indices = #map1}, {transform_indices = #map1}, {transform_indices = #map}, {transform_indices = #map}, {transform_indices = #map1}, {transform_indices = #map1}, {transform_indices = #map1}, {transform_indices = #map1}, {transform_indices = #map1}, {transform_indices = #map1}, {transform_indices = #map1}]} {
    %broadcast_in_dim3A = arith.constant 0.000000e+00 : f32
    %broadcast_in_dim3A_0 = vector.broadcast %broadcast_in_dim3A : f32 to vector<16xf32>
    %scan3A = arith.constant 0 : i32
    %scan3A_1 = arith.constant 0 : i32
    %scan3A_2 = arith.constant 512 : i32
    %scan3A_3 = arith.addi %scan3A_1, %scan3A_2 : i32
    %scan3A_4 = arith.constant 1 : i32
    scf.for %scan3A_59 = %scan3A_1 to %scan3A_3 step %scan3A_4  : i32 {
      %jit3A = arith.constant 8 : i32
      %div3A = arith.divsi %scan3A_59, %jit3A : i32
      %sign3A = arith.constant 0 : i32
      %sign3A_60 = arith.cmpi sgt, %scan3A_59, %sign3A : i32
      %sign3A_61 = arith.extui %sign3A_60 : i1 to i32
      %sign3A_62 = arith.constant 0 : i32
      %sign3A_63 = arith.cmpi slt, %scan3A_59, %sign3A_62 : i32
      %sign3A_64 = arith.extui %sign3A_63 : i1 to i32
      %sign3A_65 = arith.subi %sign3A_61, %sign3A_64 : i32
      %sign3A_66 = arith.constant 0 : i32
      %sign3A_67 = arith.cmpi sgt, %jit3A, %sign3A_66 : i32
      %sign3A_68 = arith.extui %sign3A_67 : i1 to i32
      %sign3A_69 = arith.constant 0 : i32
      %sign3A_70 = arith.cmpi slt, %jit3A, %sign3A_69 : i32
      %sign3A_71 = arith.extui %sign3A_70 : i1 to i32
      %sign3A_72 = arith.subi %sign3A_68, %sign3A_71 : i32
      %ne3A = arith.cmpi ne, %sign3A_65, %sign3A_72 : i32
      %rem3A = arith.remsi %scan3A_59, %jit3A : i32
      %ne3A_73 = arith.constant 0 : i32
      %ne3A_74 = arith.cmpi ne, %rem3A, %ne3A_73 : i32
      %and3A = arith.andi %ne3A, %ne3A_74 : i1
      %sub3A = arith.constant 1 : i32
      %sub3A_75 = arith.subi %div3A, %sub3A : i32
      %select_n3A = arith.select %and3A, %sub3A_75, %div3A : i32
      %jit3A_76 = arith.constant 8 : i32
      %eq3A_77 = arith.constant 0 : i32
      %eq3A_78 = arith.cmpi eq, %jit3A_76, %eq3A_77 : i32
      %jit3A_79 = arith.constant 1 : i32
      %select_n3A_80 = arith.select %eq3A_78, %jit3A_79, %jit3A_76 : i32
      %rem3A_81 = arith.remsi %scan3A_59, %select_n3A_80 : i32
      %ne3A_82 = arith.constant 0 : i32
      %ne3A_83 = arith.cmpi ne, %rem3A_81, %ne3A_82 : i32
      %lt3A = arith.constant 0 : i32
      %lt3A_84 = arith.cmpi slt, %rem3A_81, %lt3A : i32
      %lt3A_85 = arith.constant 0 : i32
      %lt3A_86 = arith.cmpi slt, %select_n3A_80, %lt3A_85 : i32
      %ne3A_87 = arith.xori %lt3A_84, %lt3A_86 : i1
      %and3A_88 = arith.andi %ne3A_87, %ne3A_83 : i1
      %add3A = arith.addi %rem3A_81, %select_n3A_80 : i32
      %select_n3A_89 = arith.select %and3A_88, %add3A, %rem3A_81 : i32
      %mul3A = arith.constant 16 : i32
      %mul3A_90 = arith.muli %select_n3A_89, %mul3A : i32
      %swap3A = arith.index_cast %select_n3A : i32 to index
      %swap3A_91 = arith.index_cast %mul3A_90 : i32 to index
      %swap3A_92 = tpu.vector_load %arg21[%swap3A, %swap3A_91] {strides = array<i32>} : memref<64x128xf32, #tpu.memory_space<vmem>>, vector<1x16xf32>,
      %swap3A_93 = vector.shape_cast %swap3A_92 : vector<1x16xf32> to vector<16xf32>
      %swap3A_94 = vector.shape_cast %broadcast_in_dim3A_0 : vector<16xf32> to vector<1x16xf32>
      tpu.vector_store %arg21[%swap3A, %swap3A_91], %swap3A_94 {strides = array<i32>} : memref<64x128xf32, #tpu.memory_space<vmem>>, vector<1x16xf32>,
      %jit3A_95 = arith.constant 8 : i32
      %div3A_96 = arith.divsi %scan3A_59, %jit3A_95 : i32
      %sign3A_97 = arith.constant 0 : i32
      %sign3A_98 = arith.cmpi sgt, %scan3A_59, %sign3A_97 : i32
      %sign3A_99 = arith.extui %sign3A_98 : i1 to i32
      %sign3A_100 = arith.constant 0 : i32
      %sign3A_101 = arith.cmpi slt, %scan3A_59, %sign3A_100 : i32
      %sign3A_102 = arith.extui %sign3A_101 : i1 to i32
      %sign3A_103 = arith.subi %sign3A_99, %sign3A_102 : i32
      %sign3A_104 = arith.constant 0 : i32
      %sign3A_105 = arith.cmpi sgt, %jit3A_95, %sign3A_104 : i32
      %sign3A_106 = arith.extui %sign3A_105 : i1 to i32
      %sign3A_107 = arith.constant 0 : i32
      %sign3A_108 = arith.cmpi slt, %jit3A_95, %sign3A_107 : i32
      %sign3A_109 = arith.extui %sign3A_108 : i1 to i32
      %sign3A_110 = arith.subi %sign3A_106, %sign3A_109 : i32
      %ne3A_111 = arith.cmpi ne, %sign3A_103, %sign3A_110 : i32
      %rem3A_112 = arith.remsi %scan3A_59, %jit3A_95 : i32
      %ne3A_113 = arith.constant 0 : i32
      %ne3A_114 = arith.cmpi ne, %rem3A_112, %ne3A_113 : i32
      %and3A_115 = arith.andi %ne3A_111, %ne3A_114 : i1
      %sub3A_116 = arith.constant 1 : i32
      %sub3A_117 = arith.subi %div3A_96, %sub3A_116 : i32
      %select_n3A_118 = arith.select %and3A_115, %sub3A_117, %div3A_96 : i32
      %jit3A_119 = arith.constant 8 : i32
      %eq3A_120 = arith.constant 0 : i32
      %eq3A_121 = arith.cmpi eq, %jit3A_119, %eq3A_120 : i32
      %jit3A_122 = arith.constant 1 : i32
      %select_n3A_123 = arith.select %eq3A_121, %jit3A_122, %jit3A_119 : i32
      %rem3A_124 = arith.remsi %scan3A_59, %select_n3A_123 : i32
      %ne3A_125 = arith.constant 0 : i32
      %ne3A_126 = arith.cmpi ne, %rem3A_124, %ne3A_125 : i32
      %lt3A_127 = arith.constant 0 : i32
      %lt3A_128 = arith.cmpi slt, %rem3A_124, %lt3A_127 : i32
      %lt3A_129 = arith.constant 0 : i32
      %lt3A_130 = arith.cmpi slt, %select_n3A_123, %lt3A_129 : i32
      %ne3A_131 = arith.xori %lt3A_128, %lt3A_130 : i1
      %and3A_132 = arith.andi %ne3A_131, %ne3A_126 : i1
      %add3A_133 = arith.addi %rem3A_124, %select_n3A_123 : i32
      %select_n3A_134 = arith.select %and3A_132, %add3A_133, %rem3A_124 : i32
      %mul3A_135 = arith.constant 16 : i32
      %mul3A_136 = arith.muli %select_n3A_134, %mul3A_135 : i32
      %swap3A_137 = arith.index_cast %select_n3A_118 : i32 to index
      %swap3A_138 = arith.index_cast %mul3A_136 : i32 to index
      %swap3A_139 = tpu.vector_load %arg20[%swap3A_137, %swap3A_138] {strides = array<i32>} : memref<64x128xf32, #tpu.memory_space<vmem>>, vector<1x16xf32>,
      %swap3A_140 = vector.shape_cast %swap3A_139 : vector<1x16xf32> to vector<16xf32>
      %swap3A_141 = vector.shape_cast %broadcast_in_dim3A_0 : vector<16xf32> to vector<1x16xf32>
      tpu.vector_store %arg20[%swap3A_137, %swap3A_138], %swap3A_141 {strides = array<i32>} : memref<64x128xf32, #tpu.memory_space<vmem>>, vector<1x16xf32>,
    }
    %scan3A_5 = arith.constant 512 : i32
    %scan3A_6 = arith.constant 0 : i32
    %scan3A_7 = arith.constant 0 : i32
    %scan3A_8 = arith.constant 6 : i32
    %scan3A_9 = arith.addi %scan3A_7, %scan3A_8 : i32
    %scan3A_10 = arith.constant 1 : i32
    scf.for %scan3A_59 = %scan3A_7 to %scan3A_9 step %scan3A_10  : i32 {
      %mul3A = arith.constant 16 : i32
      %mul3A_60 = arith.muli %scan3A_59, %mul3A : i32
      %add3A = arith.addi %arg1, %mul3A_60 : i32
      %lt3A = arith.constant 94 : i32
      %lt3A_61 = arith.cmpi slt, %add3A, %lt3A : i32
      %convert_element_type3A_62 = arith.extui %lt3A_61 : i1 to i32
      %cond3A_63 = arith.constant 0 : i32
      %cond3A_64 = arith.cmpi ne, %convert_element_type3A_62, %cond3A_63 : i32
      scf.if %cond3A_64 {
        %mul3A_65 = arith.constant 64 : i32
        %mul3A_66 = arith.muli %add3A, %mul3A_65 : i32
        "tpu.region"() ({
          %run_scoped3A = tpu.sem_alloc : memref<!tpu.dma_semaphore, #tpu.memory_space<semaphore_mem>>
          %dma_start3A = arith.constant 0 : i32
          %dma_start3A_67 = tpu.memref_slice %arg22[%mul3A_66, %dma_start3A] : memref<6016x128xf32, #tpu.memory_space<vmem_shared>> -> memref<64x128xf32, #tpu.memory_space<vmem_shared>>
          %dma_start3A_68 = arith.constant 0 : i32
          %dma_start3A_69 = tpu.memref_slice %arg22[%mul3A_66, %dma_start3A_68] : memref<6016x128xf32, #tpu.memory_space<vmem_shared>> -> memref<64x128xf32, #tpu.memory_space<vmem_shared>>
          tpu.enqueue_dma source(%arg21 : memref<64x128xf32, #tpu.memory_space<vmem>>) target(%dma_start3A_69 : memref<64x128xf32, #tpu.memory_space<vmem_shared>>) target_semaphore(%run_scoped3A : memref<!tpu.dma_semaphore, #tpu.memory_space<semaphore_mem>>)
          %dma_wait3A = arith.constant 0 : i32
          %dma_wait3A_70 = tpu.memref_slice %arg22[%mul3A_66, %dma_wait3A] : memref<6016x128xf32, #tpu.memory_space<vmem_shared>> -> memref<64x128xf32, #tpu.memory_space<vmem_shared>>
          %dma_wait3A_71 = arith.constant 0 : i32
          %dma_wait3A_72 = tpu.memref_slice %arg22[%mul3A_66, %dma_wait3A_71] : memref<6016x128xf32, #tpu.memory_space<vmem_shared>> -> memref<64x128xf32, #tpu.memory_space<vmem_shared>>
          tpu.wait_dma2 semaphore(%run_scoped3A : memref<!tpu.dma_semaphore, #tpu.memory_space<semaphore_mem>>) src(%arg21 : memref<64x128xf32, #tpu.memory_space<vmem>>) dst(%dma_wait3A_72 : memref<64x128xf32, #tpu.memory_space<vmem_shared>>)
          tpu.yield
        }) : () -> ()
      } else {
      }
    }
    %scan3A_11 = arith.constant 6 : i32
    %barrier3A = arith.constant 0 : index
    tpu.barrier barrier_id(%barrier3A)
    %eq3A = arith.constant 0 : i32
    %eq3A_12 = arith.cmpi eq, %arg0, %eq3A : i32
    %convert_element_type3A = arith.extui %eq3A_12 : i1 to i32
    %cond3A = arith.constant 0 : i32
    %cond3A_13 = arith.cmpi ne, %convert_element_type3A, %cond3A : i32
    scf.if %cond3A_13 {
      %scan3A_59 = arith.constant 0 : i32
      %scan3A_60 = arith.constant 0 : i32
      %scan3A_61 = arith.constant 158 : i32
      %scan3A_62 = arith.addi %scan3A_60, %scan3A_61 : i32
      %scan3A_63 = arith.constant 1 : i32
      scf.for %scan3A_65 = %scan3A_60 to %scan3A_62 step %scan3A_63  : i32 {
        %mul3A = arith.constant 10112 : i32
        %mul3A_66 = arith.muli %arg1, %mul3A : i32
        %mul3A_67 = arith.constant 64 : i32
        %mul3A_68 = arith.muli %scan3A_65, %mul3A_67 : i32
        %add3A = arith.addi %mul3A_66, %mul3A_68 : i32
        "tpu.region"() ({
          %run_scoped3A = tpu.sem_alloc : memref<!tpu.dma_semaphore, #tpu.memory_space<semaphore_mem>>
          %dma_start3A_85 = tpu.memref_slice %arg2[%add3A] : memref<161792xi32, #tpu.memory_space<hbm>> -> memref<64xi32, #tpu.memory_space<hbm>>
          %dma_start3A_86 = tpu.memref_slice %arg2[%add3A] : memref<161792xi32, #tpu.memory_space<hbm>> -> memref<64xi32, #tpu.memory_space<hbm>>
          tpu.enqueue_dma source(%dma_start3A_86 : memref<64xi32, #tpu.memory_space<hbm>>) target(%arg16 : memref<64xi32, #tpu.memory_space<vmem>>) target_semaphore(%run_scoped3A : memref<!tpu.dma_semaphore, #tpu.memory_space<semaphore_mem>>)
          %dma_wait3A_87 = tpu.memref_slice %arg2[%add3A] : memref<161792xi32, #tpu.memory_space<hbm>> -> memref<64xi32, #tpu.memory_space<hbm>>
          %dma_wait3A_88 = tpu.memref_slice %arg2[%add3A] : memref<161792xi32, #tpu.memory_space<hbm>> -> memref<64xi32, #tpu.memory_space<hbm>>
          tpu.wait_dma2 semaphore(%run_scoped3A : memref<!tpu.dma_semaphore, #tpu.memory_space<semaphore_mem>>) src(%dma_wait3A_88 : memref<64xi32, #tpu.memory_space<hbm>>) dst(%arg16 : memref<64xi32, #tpu.memory_space<vmem>>)
          tpu.yield
        }) : () -> ()
        "tpu.region"() ({
          %run_scoped3A = tpu.sem_alloc : memref<!tpu.dma_semaphore, #tpu.memory_space<semaphore_mem>>
          %dma_start3A_85 = tpu.memref_slice %arg3[%add3A] : memref<161792xi32, #tpu.memory_space<hbm>> -> memref<64xi32, #tpu.memory_space<hbm>>
          %dma_start3A_86 = tpu.memref_slice %arg3[%add3A] : memref<161792xi32, #tpu.memory_space<hbm>> -> memref<64xi32, #tpu.memory_space<hbm>>
          tpu.enqueue_dma source(%dma_start3A_86 : memref<64xi32, #tpu.memory_space<hbm>>) target(%arg17 : memref<64xi32, #tpu.memory_space<vmem>>) target_semaphore(%run_scoped3A : memref<!tpu.dma_semaphore, #tpu.memory_space<semaphore_mem>>)
          %dma_wait3A_87 = tpu.memref_slice %arg3[%add3A] : memref<161792xi32, #tpu.memory_space<hbm>> -> memref<64xi32, #tpu.memory_space<hbm>>
          %dma_wait3A_88 = tpu.memref_slice %arg3[%add3A] : memref<161792xi32, #tpu.memory_space<hbm>> -> memref<64xi32, #tpu.memory_space<hbm>>
          tpu.wait_dma2 semaphore(%run_scoped3A : memref<!tpu.dma_semaphore, #tpu.memory_space<semaphore_mem>>) src(%dma_wait3A_88 : memref<64xi32, #tpu.memory_space<hbm>>) dst(%arg17 : memref<64xi32, #tpu.memory_space<vmem>>)
          tpu.yield
        }) : () -> ()
        %dma_start3A = arith.constant 0 : i32
        %dma_start3A_69 = arith.constant 0 : i32
        %dma_start3A_70 = tpu.memref_slice %arg4[%dma_start3A, %dma_start3A_69] : memref<6016x128xf32, #tpu.memory_space<hbm>> -> memref<6016x128xf32, #tpu.memory_space<hbm>>
        tpu.enqueue_indirect_dma source(%dma_start3A_70 : memref<6016x128xf32, #tpu.memory_space<hbm>>) target(%arg18 : memref<64x128xf32, #tpu.memory_space<vmem>>) offsets(%arg16 : memref<64xi32, #tpu.memory_space<vmem>>) semaphore(%arg23 : memref<!tpu.dma_semaphore, #tpu.memory_space<semaphore_mem>>)
        %dma_wait3A = arith.constant 0 : i32
        %dma_wait3A_71 = arith.constant 0 : i32
        %dma_wait3A_72 = tpu.memref_slice %arg4[%dma_wait3A, %dma_wait3A_71] : memref<6016x128xf32, #tpu.memory_space<hbm>> -> memref<6016x128xf32, #tpu.memory_space<hbm>>
        tpu.wait_indirect_dma semaphore(%arg23 : memref<!tpu.dma_semaphore, #tpu.memory_space<semaphore_mem>>) src(%dma_wait3A_72 : memref<6016x128xf32, #tpu.memory_space<hbm>>) dst(%arg18 : memref<64x128xf32, #tpu.memory_space<vmem>>)
        %dma_start3A_73 = arith.constant 0 : i32
        %dma_start3A_74 = arith.constant 0 : i32
        %dma_start3A_75 = tpu.memref_slice %arg5[%dma_start3A_73, %dma_start3A_74] : memref<6016x128xf32, #tpu.memory_space<hbm>> -> memref<6016x128xf32, #tpu.memory_space<hbm>>
        tpu.enqueue_indirect_dma source(%dma_start3A_75 : memref<6016x128xf32, #tpu.memory_space<hbm>>) target(%arg19 : memref<64x128xf32, #tpu.memory_space<vmem>>) offsets(%arg17 : memref<64xi32, #tpu.memory_space<vmem>>) semaphore(%arg23 : memref<!tpu.dma_semaphore, #tpu.memory_space<semaphore_mem>>)
        %dma_wait3A_76 = arith.constant 0 : i32
        %dma_wait3A_77 = arith.constant 0 : i32
        %dma_wait3A_78 = tpu.memref_slice %arg5[%dma_wait3A_76, %dma_wait3A_77] : memref<6016x128xf32, #tpu.memory_space<hbm>> -> memref<6016x128xf32, #tpu.memory_space<hbm>>
        tpu.wait_indirect_dma semaphore(%arg23 : memref<!tpu.dma_semaphore, #tpu.memory_space<semaphore_mem>>) src(%dma_wait3A_78 : memref<6016x128xf32, #tpu.memory_space<hbm>>) dst(%arg19 : memref<64x128xf32, #tpu.memory_space<vmem>>)
        %scan3A_79 = arith.constant 0 : i32
        %scan3A_80 = arith.constant 0 : i32
        %scan3A_81 = arith.constant 64 : i32
        %scan3A_82 = arith.addi %scan3A_80, %scan3A_81 : i32
        %scan3A_83 = arith.constant 1 : i32
        scf.for %scan3A_85 = %scan3A_80 to %scan3A_82 step %scan3A_83  : i32 {
          %get3A = arith.index_cast %scan3A_85 : i32 to index
          %get3A_86 = arith.constant 0 : index
          %get3A_87 = tpu.vector_load %arg18[%get3A, %get3A_86] {strides = array<i32>} : memref<64x128xf32, #tpu.memory_space<vmem>>, vector<1x16xf32>,
          %get3A_88 = vector.shape_cast %get3A_87 : vector<1x16xf32> to vector<16xf32>
          %get3A_89 = arith.index_cast %scan3A_85 : i32 to index
          %get3A_90 = arith.constant 0 : index
          %get3A_91 = tpu.vector_load %arg19[%get3A_89, %get3A_90] {strides = array<i32>} : memref<64x128xf32, #tpu.memory_space<vmem>>, vector<1x16xf32>,
          %get3A_92 = vector.shape_cast %get3A_91 : vector<1x16xf32> to vector<16xf32>
          %add3A_93 = arith.addf %get3A_88, %get3A_92 : vector<16xf32>
          %mul3A_94 = arith.constant 2.000000e-01 : f32
          %mul3A_95 = vector.broadcast %mul3A_94 : f32 to vector<16xf32>
          %mul3A_96 = arith.mulf %add3A_93, %mul3A_95 : vector<16xf32>
          %max3A = arith.maximumf %add3A_93, %mul3A_96 : vector<16xf32>
          %exp3A = math.exp %max3A : vector<16xf32>
          %swap3A = arith.index_cast %scan3A_85 : i32 to index
          %swap3A_97 = arith.constant 0 : index
          %swap3A_98 = tpu.vector_load %arg20[%swap3A, %swap3A_97] {strides = array<i32>} : memref<64x128xf32, #tpu.memory_space<vmem>>, vector<1x16xf32>,
          %swap3A_99 = vector.shape_cast %swap3A_98 : vector<1x16xf32> to vector<16xf32>
          %swap3A_100 = vector.shape_cast %exp3A : vector<16xf32> to vector<1x16xf32>
          tpu.vector_store %arg20[%swap3A, %swap3A_97], %swap3A_100 {strides = array<i32>} : memref<64x128xf32, #tpu.memory_space<vmem>>, vector<1x16xf32>,
        }
        %scan3A_84 = arith.constant 64 : i32
        "tpu.region"() ({
          %run_scoped3A = tpu.sem_alloc : memref<!tpu.dma_semaphore, #tpu.memory_space<semaphore_mem>>
          %dma_start3A_85 = arith.constant 0 : i32
          %dma_start3A_86 = arith.constant 0 : i32
          %dma_start3A_87 = tpu.memref_slice %arg22[%dma_start3A_85, %dma_start3A_86] : memref<6016x128xf32, #tpu.memory_space<vmem_shared>> -> memref<6016x128xf32, #tpu.memory_space<vmem_shared>>
          tpu.enqueue_indirect_dma source(%arg20 : memref<64x128xf32, #tpu.memory_space<vmem>>) target(%dma_start3A_87 : memref<6016x128xf32, #tpu.memory_space<vmem_shared>>) offsets(%arg17 : memref<64xi32, #tpu.memory_space<vmem>>) semaphore(%run_scoped3A : memref<!tpu.dma_semaphore, #tpu.memory_space<semaphore_mem>>) {add = true}
          %dma_wait3A_88 = arith.constant 0 : i32
          %dma_wait3A_89 = arith.constant 0 : i32
          %dma_wait3A_90 = tpu.memref_slice %arg22[%dma_wait3A_88, %dma_wait3A_89] : memref<6016x128xf32, #tpu.memory_space<vmem_shared>> -> memref<6016x128xf32, #tpu.memory_space<vmem_shared>>
          tpu.wait_indirect_dma semaphore(%run_scoped3A : memref<!tpu.dma_semaphore, #tpu.memory_space<semaphore_mem>>) src(%arg20 : memref<64x128xf32, #tpu.memory_space<vmem>>) dst(%dma_wait3A_90 : memref<6016x128xf32, #tpu.memory_space<vmem_shared>>)
          tpu.yield
        }) : () -> ()
      }
      %scan3A_64 = arith.constant 158 : i32
    } else {
    }
    %eq3A_14 = arith.constant 1 : i32
    %eq3A_15 = arith.cmpi eq, %arg0, %eq3A_14 : i32
    %convert_element_type3A_16 = arith.extui %eq3A_15 : i1 to i32
    %cond3A_17 = arith.constant 0 : i32
    %cond3A_18 = arith.cmpi ne, %convert_element_type3A_16, %cond3A_17 : i32
    scf.if %cond3A_18 {
      %scan3A_59 = arith.constant 0 : i32
      %scan3A_60 = arith.constant 0 : i32
      %scan3A_61 = arith.constant 158 : i32
      %scan3A_62 = arith.addi %scan3A_60, %scan3A_61 : i32
      %scan3A_63 = arith.constant 1 : i32
      scf.for %scan3A_65 = %scan3A_60 to %scan3A_62 step %scan3A_63  : i32 {
        %mul3A = arith.constant 10112 : i32
        %mul3A_66 = arith.muli %arg1, %mul3A : i32
        %mul3A_67 = arith.constant 64 : i32
        %mul3A_68 = arith.muli %scan3A_65, %mul3A_67 : i32
        %add3A = arith.addi %mul3A_66, %mul3A_68 : i32
        "tpu.region"() ({
          %run_scoped3A = tpu.sem_alloc : memref<!tpu.dma_semaphore, #tpu.memory_space<semaphore_mem>>
          %dma_start3A_85 = tpu.memref_slice %arg7[%add3A] : memref<161792xi32, #tpu.memory_space<hbm>> -> memref<64xi32, #tpu.memory_space<hbm>>
          %dma_start3A_86 = tpu.memref_slice %arg7[%add3A] : memref<161792xi32, #tpu.memory_space<hbm>> -> memref<64xi32, #tpu.memory_space<hbm>>
          tpu.enqueue_dma source(%dma_start3A_86 : memref<64xi32, #tpu.memory_space<hbm>>) target(%arg16 : memref<64xi32, #tpu.memory_space<vmem>>) target_semaphore(%run_scoped3A : memref<!tpu.dma_semaphore, #tpu.memory_space<semaphore_mem>>)
          %dma_wait3A_87 = tpu.memref_slice %arg7[%add3A] : memref<161792xi32, #tpu.memory_space<hbm>> -> memref<64xi32, #tpu.memory_space<hbm>>
          %dma_wait3A_88 = tpu.memref_slice %arg7[%add3A] : memref<161792xi32, #tpu.memory_space<hbm>> -> memref<64xi32, #tpu.memory_space<hbm>>
          tpu.wait_dma2 semaphore(%run_scoped3A : memref<!tpu.dma_semaphore, #tpu.memory_space<semaphore_mem>>) src(%dma_wait3A_88 : memref<64xi32, #tpu.memory_space<hbm>>) dst(%arg16 : memref<64xi32, #tpu.memory_space<vmem>>)
          tpu.yield
        }) : () -> ()
        "tpu.region"() ({
          %run_scoped3A = tpu.sem_alloc : memref<!tpu.dma_semaphore, #tpu.memory_space<semaphore_mem>>
          %dma_start3A_85 = tpu.memref_slice %arg8[%add3A] : memref<161792xi32, #tpu.memory_space<hbm>> -> memref<64xi32, #tpu.memory_space<hbm>>
          %dma_start3A_86 = tpu.memref_slice %arg8[%add3A] : memref<161792xi32, #tpu.memory_space<hbm>> -> memref<64xi32, #tpu.memory_space<hbm>>
          tpu.enqueue_dma source(%dma_start3A_86 : memref<64xi32, #tpu.memory_space<hbm>>) target(%arg17 : memref<64xi32, #tpu.memory_space<vmem>>) target_semaphore(%run_scoped3A : memref<!tpu.dma_semaphore, #tpu.memory_space<semaphore_mem>>)
          %dma_wait3A_87 = tpu.memref_slice %arg8[%add3A] : memref<161792xi32, #tpu.memory_space<hbm>> -> memref<64xi32, #tpu.memory_space<hbm>>
          %dma_wait3A_88 = tpu.memref_slice %arg8[%add3A] : memref<161792xi32, #tpu.memory_space<hbm>> -> memref<64xi32, #tpu.memory_space<hbm>>
          tpu.wait_dma2 semaphore(%run_scoped3A : memref<!tpu.dma_semaphore, #tpu.memory_space<semaphore_mem>>) src(%dma_wait3A_88 : memref<64xi32, #tpu.memory_space<hbm>>) dst(%arg17 : memref<64xi32, #tpu.memory_space<vmem>>)
          tpu.yield
        }) : () -> ()
        %dma_start3A = arith.constant 0 : i32
        %dma_start3A_69 = arith.constant 0 : i32
        %dma_start3A_70 = tpu.memref_slice %arg9[%dma_start3A, %dma_start3A_69] : memref<6016x128xf32, #tpu.memory_space<hbm>> -> memref<6016x128xf32, #tpu.memory_space<hbm>>
        tpu.enqueue_indirect_dma source(%dma_start3A_70 : memref<6016x128xf32, #tpu.memory_space<hbm>>) target(%arg18 : memref<64x128xf32, #tpu.memory_space<vmem>>) offsets(%arg16 : memref<64xi32, #tpu.memory_space<vmem>>) semaphore(%arg23 : memref<!tpu.dma_semaphore, #tpu.memory_space<semaphore_mem>>)
        %dma_wait3A = arith.constant 0 : i32
        %dma_wait3A_71 = arith.constant 0 : i32
        %dma_wait3A_72 = tpu.memref_slice %arg9[%dma_wait3A, %dma_wait3A_71] : memref<6016x128xf32, #tpu.memory_space<hbm>> -> memref<6016x128xf32, #tpu.memory_space<hbm>>
        tpu.wait_indirect_dma semaphore(%arg23 : memref<!tpu.dma_semaphore, #tpu.memory_space<semaphore_mem>>) src(%dma_wait3A_72 : memref<6016x128xf32, #tpu.memory_space<hbm>>) dst(%arg18 : memref<64x128xf32, #tpu.memory_space<vmem>>)
        %dma_start3A_73 = arith.constant 0 : i32
        %dma_start3A_74 = arith.constant 0 : i32
        %dma_start3A_75 = tpu.memref_slice %arg10[%dma_start3A_73, %dma_start3A_74] : memref<6016x128xf32, #tpu.memory_space<hbm>> -> memref<6016x128xf32, #tpu.memory_space<hbm>>
        tpu.enqueue_indirect_dma source(%dma_start3A_75 : memref<6016x128xf32, #tpu.memory_space<hbm>>) target(%arg19 : memref<64x128xf32, #tpu.memory_space<vmem>>) offsets(%arg17 : memref<64xi32, #tpu.memory_space<vmem>>) semaphore(%arg23 : memref<!tpu.dma_semaphore, #tpu.memory_space<semaphore_mem>>)
        %dma_wait3A_76 = arith.constant 0 : i32
        %dma_wait3A_77 = arith.constant 0 : i32
        %dma_wait3A_78 = tpu.memref_slice %arg10[%dma_wait3A_76, %dma_wait3A_77] : memref<6016x128xf32, #tpu.memory_space<hbm>> -> memref<6016x128xf32, #tpu.memory_space<hbm>>
        tpu.wait_indirect_dma semaphore(%arg23 : memref<!tpu.dma_semaphore, #tpu.memory_space<semaphore_mem>>) src(%dma_wait3A_78 : memref<6016x128xf32, #tpu.memory_space<hbm>>) dst(%arg19 : memref<64x128xf32, #tpu.memory_space<vmem>>)
        %scan3A_79 = arith.constant 0 : i32
        %scan3A_80 = arith.constant 0 : i32
        %scan3A_81 = arith.constant 64 : i32
        %scan3A_82 = arith.addi %scan3A_80, %scan3A_81 : i32
        %scan3A_83 = arith.constant 1 : i32
        scf.for %scan3A_85 = %scan3A_80 to %scan3A_82 step %scan3A_83  : i32 {
          %get3A = arith.index_cast %scan3A_85 : i32 to index
          %get3A_86 = arith.constant 0 : index
          %get3A_87 = tpu.vector_load %arg18[%get3A, %get3A_86] {strides = array<i32>} : memref<64x128xf32, #tpu.memory_space<vmem>>, vector<1x16xf32>,
          %get3A_88 = vector.shape_cast %get3A_87 : vector<1x16xf32> to vector<16xf32>
          %get3A_89 = arith.index_cast %scan3A_85 : i32 to index
          %get3A_90 = arith.constant 0 : index
          %get3A_91 = tpu.vector_load %arg19[%get3A_89, %get3A_90] {strides = array<i32>} : memref<64x128xf32, #tpu.memory_space<vmem>>, vector<1x16xf32>,
          %get3A_92 = vector.shape_cast %get3A_91 : vector<1x16xf32> to vector<16xf32>
          %add3A_93 = arith.addf %get3A_88, %get3A_92 : vector<16xf32>
          %mul3A_94 = arith.constant 2.000000e-01 : f32
          %mul3A_95 = vector.broadcast %mul3A_94 : f32 to vector<16xf32>
          %mul3A_96 = arith.mulf %add3A_93, %mul3A_95 : vector<16xf32>
          %max3A = arith.maximumf %add3A_93, %mul3A_96 : vector<16xf32>
          %exp3A = math.exp %max3A : vector<16xf32>
          %swap3A = arith.index_cast %scan3A_85 : i32 to index
          %swap3A_97 = arith.constant 0 : index
          %swap3A_98 = tpu.vector_load %arg20[%swap3A, %swap3A_97] {strides = array<i32>} : memref<64x128xf32, #tpu.memory_space<vmem>>, vector<1x16xf32>,
          %swap3A_99 = vector.shape_cast %swap3A_98 : vector<1x16xf32> to vector<16xf32>
          %swap3A_100 = vector.shape_cast %exp3A : vector<16xf32> to vector<1x16xf32>
          tpu.vector_store %arg20[%swap3A, %swap3A_97], %swap3A_100 {strides = array<i32>} : memref<64x128xf32, #tpu.memory_space<vmem>>, vector<1x16xf32>,
        }
        %scan3A_84 = arith.constant 64 : i32
        "tpu.region"() ({
          %run_scoped3A = tpu.sem_alloc : memref<!tpu.dma_semaphore, #tpu.memory_space<semaphore_mem>>
          %dma_start3A_85 = arith.constant 0 : i32
          %dma_start3A_86 = arith.constant 0 : i32
          %dma_start3A_87 = tpu.memref_slice %arg22[%dma_start3A_85, %dma_start3A_86] : memref<6016x128xf32, #tpu.memory_space<vmem_shared>> -> memref<6016x128xf32, #tpu.memory_space<vmem_shared>>
          tpu.enqueue_indirect_dma source(%arg20 : memref<64x128xf32, #tpu.memory_space<vmem>>) target(%dma_start3A_87 : memref<6016x128xf32, #tpu.memory_space<vmem_shared>>) offsets(%arg17 : memref<64xi32, #tpu.memory_space<vmem>>) semaphore(%run_scoped3A : memref<!tpu.dma_semaphore, #tpu.memory_space<semaphore_mem>>) {add = true}
          %dma_wait3A_88 = arith.constant 0 : i32
          %dma_wait3A_89 = arith.constant 0 : i32
          %dma_wait3A_90 = tpu.memref_slice %arg22[%dma_wait3A_88, %dma_wait3A_89] : memref<6016x128xf32, #tpu.memory_space<vmem_shared>> -> memref<6016x128xf32, #tpu.memory_space<vmem_shared>>
          tpu.wait_indirect_dma semaphore(%run_scoped3A : memref<!tpu.dma_semaphore, #tpu.memory_space<semaphore_mem>>) src(%arg20 : memref<64x128xf32, #tpu.memory_space<vmem>>) dst(%dma_wait3A_90 : memref<6016x128xf32, #tpu.memory_space<vmem_shared>>)
          tpu.yield
        }) : () -> ()
      }
      %scan3A_64 = arith.constant 158 : i32
    } else {
    }
    %barrier3A_19 = arith.constant 0 : index
    tpu.barrier barrier_id(%barrier3A_19)
    %eq3A_20 = arith.constant 0 : i32
    %eq3A_21 = arith.cmpi eq, %arg0, %eq3A_20 : i32
    %convert_element_type3A_22 = arith.extui %eq3A_21 : i1 to i32
    %cond3A_23 = arith.constant 0 : i32
    %cond3A_24 = arith.cmpi ne, %convert_element_type3A_22, %cond3A_23 : i32
    scf.if %cond3A_24 {
      %mul3A = arith.constant 376 : i32
      %mul3A_59 = arith.muli %arg1, %mul3A : i32
      "tpu.region"() ({
        %run_scoped3A = tpu.sem_alloc : memref<!tpu.dma_semaphore, #tpu.memory_space<semaphore_mem>>
        %dma_start3A = arith.constant 0 : i32
        %dma_start3A_60 = tpu.memref_slice %arg13[%mul3A_59, %dma_start3A] : memref<6016x128xf32, #tpu.memory_space<hbm>> -> memref<376x128xf32, #tpu.memory_space<hbm>>
        %dma_start3A_61 = arith.constant 0 : i32
        %dma_start3A_62 = tpu.memref_slice %arg22[%mul3A_59, %dma_start3A_61] : memref<6016x128xf32, #tpu.memory_space<vmem_shared>> -> memref<376x128xf32, #tpu.memory_space<vmem_shared>>
        tpu.enqueue_dma source(%dma_start3A_62 : memref<376x128xf32, #tpu.memory_space<vmem_shared>>) target(%dma_start3A_60 : memref<376x128xf32, #tpu.memory_space<hbm>>) target_semaphore(%run_scoped3A : memref<!tpu.dma_semaphore, #tpu.memory_space<semaphore_mem>>)
        %dma_wait3A = arith.constant 0 : i32
        %dma_wait3A_63 = tpu.memref_slice %arg13[%mul3A_59, %dma_wait3A] : memref<6016x128xf32, #tpu.memory_space<hbm>> -> memref<376x128xf32, #tpu.memory_space<hbm>>
        %dma_wait3A_64 = arith.constant 0 : i32
        %dma_wait3A_65 = tpu.memref_slice %arg22[%mul3A_59, %dma_wait3A_64] : memref<6016x128xf32, #tpu.memory_space<vmem_shared>> -> memref<376x128xf32, #tpu.memory_space<vmem_shared>>
        tpu.wait_dma2 semaphore(%run_scoped3A : memref<!tpu.dma_semaphore, #tpu.memory_space<semaphore_mem>>) src(%dma_wait3A_65 : memref<376x128xf32, #tpu.memory_space<vmem_shared>>) dst(%dma_wait3A_63 : memref<376x128xf32, #tpu.memory_space<hbm>>)
        tpu.yield
      }) : () -> ()
    } else {
    }
    %eq3A_25 = arith.constant 1 : i32
    %eq3A_26 = arith.cmpi eq, %arg0, %eq3A_25 : i32
    %convert_element_type3A_27 = arith.extui %eq3A_26 : i1 to i32
    %cond3A_28 = arith.constant 0 : i32
    %cond3A_29 = arith.cmpi ne, %convert_element_type3A_27, %cond3A_28 : i32
    scf.if %cond3A_29 {
      %mul3A = arith.constant 376 : i32
      %mul3A_59 = arith.muli %arg1, %mul3A : i32
      "tpu.region"() ({
        %run_scoped3A = tpu.sem_alloc : memref<!tpu.dma_semaphore, #tpu.memory_space<semaphore_mem>>
        %dma_start3A = arith.constant 0 : i32
        %dma_start3A_60 = tpu.memref_slice %arg15[%mul3A_59, %dma_start3A] : memref<6016x128xf32, #tpu.memory_space<hbm>> -> memref<376x128xf32, #tpu.memory_space<hbm>>
        %dma_start3A_61 = arith.constant 0 : i32
        %dma_start3A_62 = tpu.memref_slice %arg22[%mul3A_59, %dma_start3A_61] : memref<6016x128xf32, #tpu.memory_space<vmem_shared>> -> memref<376x128xf32, #tpu.memory_space<vmem_shared>>
        tpu.enqueue_dma source(%dma_start3A_62 : memref<376x128xf32, #tpu.memory_space<vmem_shared>>) target(%dma_start3A_60 : memref<376x128xf32, #tpu.memory_space<hbm>>) target_semaphore(%run_scoped3A : memref<!tpu.dma_semaphore, #tpu.memory_space<semaphore_mem>>)
        %dma_wait3A = arith.constant 0 : i32
        %dma_wait3A_63 = tpu.memref_slice %arg15[%mul3A_59, %dma_wait3A] : memref<6016x128xf32, #tpu.memory_space<hbm>> -> memref<376x128xf32, #tpu.memory_space<hbm>>
        %dma_wait3A_64 = arith.constant 0 : i32
        %dma_wait3A_65 = tpu.memref_slice %arg22[%mul3A_59, %dma_wait3A_64] : memref<6016x128xf32, #tpu.memory_space<vmem_shared>> -> memref<376x128xf32, #tpu.memory_space<vmem_shared>>
        tpu.wait_dma2 semaphore(%run_scoped3A : memref<!tpu.dma_semaphore, #tpu.memory_space<semaphore_mem>>) src(%dma_wait3A_65 : memref<376x128xf32, #tpu.memory_space<vmem_shared>>) dst(%dma_wait3A_63 : memref<376x128xf32, #tpu.memory_space<hbm>>)
        tpu.yield
      }) : () -> ()
    } else {
    }
    %barrier3A_30 = arith.constant 0 : index
    tpu.barrier barrier_id(%barrier3A_30)
    %scan3A_31 = arith.constant 0 : i32
    %scan3A_32 = arith.constant 0 : i32
    %scan3A_33 = arith.constant 6 : i32
    %scan3A_34 = arith.addi %scan3A_32, %scan3A_33 : i32
    %scan3A_35 = arith.constant 1 : i32
    scf.for %scan3A_59 = %scan3A_32 to %scan3A_34 step %scan3A_35  : i32 {
      %mul3A = arith.constant 16 : i32
      %mul3A_60 = arith.muli %scan3A_59, %mul3A : i32
      %add3A = arith.addi %arg1, %mul3A_60 : i32
      %lt3A = arith.constant 94 : i32
      %lt3A_61 = arith.cmpi slt, %add3A, %lt3A : i32
      %convert_element_type3A_62 = arith.extui %lt3A_61 : i1 to i32
      %cond3A_63 = arith.constant 0 : i32
      %cond3A_64 = arith.cmpi ne, %convert_element_type3A_62, %cond3A_63 : i32
      scf.if %cond3A_64 {
        %mul3A_65 = arith.constant 64 : i32
        %mul3A_66 = arith.muli %add3A, %mul3A_65 : i32
        "tpu.region"() ({
          %run_scoped3A = tpu.sem_alloc : memref<!tpu.dma_semaphore, #tpu.memory_space<semaphore_mem>>
          %dma_start3A = arith.constant 0 : i32
          %dma_start3A_67 = tpu.memref_slice %arg22[%mul3A_66, %dma_start3A] : memref<6016x128xf32, #tpu.memory_space<vmem_shared>> -> memref<64x128xf32, #tpu.memory_space<vmem_shared>>
          %dma_start3A_68 = arith.constant 0 : i32
          %dma_start3A_69 = tpu.memref_slice %arg22[%mul3A_66, %dma_start3A_68] : memref<6016x128xf32, #tpu.memory_space<vmem_shared>> -> memref<64x128xf32, #tpu.memory_space<vmem_shared>>
          tpu.enqueue_dma source(%arg21 : memref<64x128xf32, #tpu.memory_space<vmem>>) target(%dma_start3A_69 : memref<64x128xf32, #tpu.memory_space<vmem_shared>>) target_semaphore(%run_scoped3A : memref<!tpu.dma_semaphore, #tpu.memory_space<semaphore_mem>>)
          %dma_wait3A = arith.constant 0 : i32
          %dma_wait3A_70 = tpu.memref_slice %arg22[%mul3A_66, %dma_wait3A] : memref<6016x128xf32, #tpu.memory_space<vmem_shared>> -> memref<64x128xf32, #tpu.memory_space<vmem_shared>>
          %dma_wait3A_71 = arith.constant 0 : i32
          %dma_wait3A_72 = tpu.memref_slice %arg22[%mul3A_66, %dma_wait3A_71] : memref<6016x128xf32, #tpu.memory_space<vmem_shared>> -> memref<64x128xf32, #tpu.memory_space<vmem_shared>>
          tpu.wait_dma2 semaphore(%run_scoped3A : memref<!tpu.dma_semaphore, #tpu.memory_space<semaphore_mem>>) src(%arg21 : memref<64x128xf32, #tpu.memory_space<vmem>>) dst(%dma_wait3A_72 : memref<64x128xf32, #tpu.memory_space<vmem_shared>>)
          tpu.yield
        }) : () -> ()
      } else {
      }
    }
    %scan3A_36 = arith.constant 6 : i32
    %barrier3A_37 = arith.constant 0 : index
    tpu.barrier barrier_id(%barrier3A_37)
    %eq3A_38 = arith.constant 0 : i32
    %eq3A_39 = arith.cmpi eq, %arg0, %eq3A_38 : i32
    %convert_element_type3A_40 = arith.extui %eq3A_39 : i1 to i32
    %cond3A_41 = arith.constant 0 : i32
    %cond3A_42 = arith.cmpi ne, %convert_element_type3A_40, %cond3A_41 : i32
    scf.if %cond3A_42 {
      %scan3A_59 = arith.constant 0 : i32
      %scan3A_60 = arith.constant 0 : i32
      %scan3A_61 = arith.constant 158 : i32
      %scan3A_62 = arith.addi %scan3A_60, %scan3A_61 : i32
      %scan3A_63 = arith.constant 1 : i32
      scf.for %scan3A_65 = %scan3A_60 to %scan3A_62 step %scan3A_63  : i32 {
        %mul3A = arith.constant 10112 : i32
        %mul3A_66 = arith.muli %arg1, %mul3A : i32
        %mul3A_67 = arith.constant 64 : i32
        %mul3A_68 = arith.muli %scan3A_65, %mul3A_67 : i32
        %add3A = arith.addi %mul3A_66, %mul3A_68 : i32
        "tpu.region"() ({
          %run_scoped3A = tpu.sem_alloc : memref<!tpu.dma_semaphore, #tpu.memory_space<semaphore_mem>>
          %dma_start3A_91 = tpu.memref_slice %arg2[%add3A] : memref<161792xi32, #tpu.memory_space<hbm>> -> memref<64xi32, #tpu.memory_space<hbm>>
          %dma_start3A_92 = tpu.memref_slice %arg2[%add3A] : memref<161792xi32, #tpu.memory_space<hbm>> -> memref<64xi32, #tpu.memory_space<hbm>>
          tpu.enqueue_dma source(%dma_start3A_92 : memref<64xi32, #tpu.memory_space<hbm>>) target(%arg16 : memref<64xi32, #tpu.memory_space<vmem>>) target_semaphore(%run_scoped3A : memref<!tpu.dma_semaphore, #tpu.memory_space<semaphore_mem>>)
          %dma_wait3A_93 = tpu.memref_slice %arg2[%add3A] : memref<161792xi32, #tpu.memory_space<hbm>> -> memref<64xi32, #tpu.memory_space<hbm>>
          %dma_wait3A_94 = tpu.memref_slice %arg2[%add3A] : memref<161792xi32, #tpu.memory_space<hbm>> -> memref<64xi32, #tpu.memory_space<hbm>>
          tpu.wait_dma2 semaphore(%run_scoped3A : memref<!tpu.dma_semaphore, #tpu.memory_space<semaphore_mem>>) src(%dma_wait3A_94 : memref<64xi32, #tpu.memory_space<hbm>>) dst(%arg16 : memref<64xi32, #tpu.memory_space<vmem>>)
          tpu.yield
        }) : () -> ()
        "tpu.region"() ({
          %run_scoped3A = tpu.sem_alloc : memref<!tpu.dma_semaphore, #tpu.memory_space<semaphore_mem>>
          %dma_start3A_91 = tpu.memref_slice %arg3[%add3A] : memref<161792xi32, #tpu.memory_space<hbm>> -> memref<64xi32, #tpu.memory_space<hbm>>
          %dma_start3A_92 = tpu.memref_slice %arg3[%add3A] : memref<161792xi32, #tpu.memory_space<hbm>> -> memref<64xi32, #tpu.memory_space<hbm>>
          tpu.enqueue_dma source(%dma_start3A_92 : memref<64xi32, #tpu.memory_space<hbm>>) target(%arg17 : memref<64xi32, #tpu.memory_space<vmem>>) target_semaphore(%run_scoped3A : memref<!tpu.dma_semaphore, #tpu.memory_space<semaphore_mem>>)
          %dma_wait3A_93 = tpu.memref_slice %arg3[%add3A] : memref<161792xi32, #tpu.memory_space<hbm>> -> memref<64xi32, #tpu.memory_space<hbm>>
          %dma_wait3A_94 = tpu.memref_slice %arg3[%add3A] : memref<161792xi32, #tpu.memory_space<hbm>> -> memref<64xi32, #tpu.memory_space<hbm>>
          tpu.wait_dma2 semaphore(%run_scoped3A : memref<!tpu.dma_semaphore, #tpu.memory_space<semaphore_mem>>) src(%dma_wait3A_94 : memref<64xi32, #tpu.memory_space<hbm>>) dst(%arg17 : memref<64xi32, #tpu.memory_space<vmem>>)
          tpu.yield
        }) : () -> ()
        %dma_start3A = arith.constant 0 : i32
        %dma_start3A_69 = arith.constant 0 : i32
        %dma_start3A_70 = tpu.memref_slice %arg4[%dma_start3A, %dma_start3A_69] : memref<6016x128xf32, #tpu.memory_space<hbm>> -> memref<6016x128xf32, #tpu.memory_space<hbm>>
        tpu.enqueue_indirect_dma source(%dma_start3A_70 : memref<6016x128xf32, #tpu.memory_space<hbm>>) target(%arg18 : memref<64x128xf32, #tpu.memory_space<vmem>>) offsets(%arg16 : memref<64xi32, #tpu.memory_space<vmem>>) semaphore(%arg23 : memref<!tpu.dma_semaphore, #tpu.memory_space<semaphore_mem>>)
        %dma_wait3A = arith.constant 0 : i32
        %dma_wait3A_71 = arith.constant 0 : i32
        %dma_wait3A_72 = tpu.memref_slice %arg4[%dma_wait3A, %dma_wait3A_71] : memref<6016x128xf32, #tpu.memory_space<hbm>> -> memref<6016x128xf32, #tpu.memory_space<hbm>>
        tpu.wait_indirect_dma semaphore(%arg23 : memref<!tpu.dma_semaphore, #tpu.memory_space<semaphore_mem>>) src(%dma_wait3A_72 : memref<6016x128xf32, #tpu.memory_space<hbm>>) dst(%arg18 : memref<64x128xf32, #tpu.memory_space<vmem>>)
        %dma_start3A_73 = arith.constant 0 : i32
        %dma_start3A_74 = arith.constant 0 : i32
        %dma_start3A_75 = tpu.memref_slice %arg5[%dma_start3A_73, %dma_start3A_74] : memref<6016x128xf32, #tpu.memory_space<hbm>> -> memref<6016x128xf32, #tpu.memory_space<hbm>>
        tpu.enqueue_indirect_dma source(%dma_start3A_75 : memref<6016x128xf32, #tpu.memory_space<hbm>>) target(%arg19 : memref<64x128xf32, #tpu.memory_space<vmem>>) offsets(%arg17 : memref<64xi32, #tpu.memory_space<vmem>>) semaphore(%arg23 : memref<!tpu.dma_semaphore, #tpu.memory_space<semaphore_mem>>)
        %dma_wait3A_76 = arith.constant 0 : i32
        %dma_wait3A_77 = arith.constant 0 : i32
        %dma_wait3A_78 = tpu.memref_slice %arg5[%dma_wait3A_76, %dma_wait3A_77] : memref<6016x128xf32, #tpu.memory_space<hbm>> -> memref<6016x128xf32, #tpu.memory_space<hbm>>
        tpu.wait_indirect_dma semaphore(%arg23 : memref<!tpu.dma_semaphore, #tpu.memory_space<semaphore_mem>>) src(%dma_wait3A_78 : memref<6016x128xf32, #tpu.memory_space<hbm>>) dst(%arg19 : memref<64x128xf32, #tpu.memory_space<vmem>>)
        %dma_start3A_79 = arith.constant 0 : i32
        %dma_start3A_80 = arith.constant 0 : i32
        %dma_start3A_81 = tpu.memref_slice %arg6[%dma_start3A_79, %dma_start3A_80] : memref<6016x128xf32, #tpu.memory_space<hbm>> -> memref<6016x128xf32, #tpu.memory_space<hbm>>
        tpu.enqueue_indirect_dma source(%dma_start3A_81 : memref<6016x128xf32, #tpu.memory_space<hbm>>) target(%arg21 : memref<64x128xf32, #tpu.memory_space<vmem>>) offsets(%arg16 : memref<64xi32, #tpu.memory_space<vmem>>) semaphore(%arg23 : memref<!tpu.dma_semaphore, #tpu.memory_space<semaphore_mem>>)
        %dma_wait3A_82 = arith.constant 0 : i32
        %dma_wait3A_83 = arith.constant 0 : i32
        %dma_wait3A_84 = tpu.memref_slice %arg6[%dma_wait3A_82, %dma_wait3A_83] : memref<6016x128xf32, #tpu.memory_space<hbm>> -> memref<6016x128xf32, #tpu.memory_space<hbm>>
        tpu.wait_indirect_dma semaphore(%arg23 : memref<!tpu.dma_semaphore, #tpu.memory_space<semaphore_mem>>) src(%dma_wait3A_84 : memref<6016x128xf32, #tpu.memory_space<hbm>>) dst(%arg21 : memref<64x128xf32, #tpu.memory_space<vmem>>)
        %scan3A_85 = arith.constant 0 : i32
        %scan3A_86 = arith.constant 0 : i32
        %scan3A_87 = arith.constant 64 : i32
        %scan3A_88 = arith.addi %scan3A_86, %scan3A_87 : i32
        %scan3A_89 = arith.constant 1 : i32
        scf.for %scan3A_91 = %scan3A_86 to %scan3A_88 step %scan3A_89  : i32 {
          %get3A = arith.index_cast %scan3A_91 : i32 to index
          %get3A_92 = arith.constant 0 : index
          %get3A_93 = tpu.vector_load %arg18[%get3A, %get3A_92] {strides = array<i32>} : memref<64x128xf32, #tpu.memory_space<vmem>>, vector<1x16xf32>,
          %get3A_94 = vector.shape_cast %get3A_93 : vector<1x16xf32> to vector<16xf32>
          %get3A_95 = arith.index_cast %scan3A_91 : i32 to index
          %get3A_96 = arith.constant 0 : index
          %get3A_97 = tpu.vector_load %arg19[%get3A_95, %get3A_96] {strides = array<i32>} : memref<64x128xf32, #tpu.memory_space<vmem>>, vector<1x16xf32>,
          %get3A_98 = vector.shape_cast %get3A_97 : vector<1x16xf32> to vector<16xf32>
          %add3A_99 = arith.addf %get3A_94, %get3A_98 : vector<16xf32>
          %mul3A_100 = arith.constant 2.000000e-01 : f32
          %mul3A_101 = vector.broadcast %mul3A_100 : f32 to vector<16xf32>
          %mul3A_102 = arith.mulf %add3A_99, %mul3A_101 : vector<16xf32>
          %max3A = arith.maximumf %add3A_99, %mul3A_102 : vector<16xf32>
          %exp3A = math.exp %max3A : vector<16xf32>
          %slice3A = vector.extract_strided_slice %exp3A {offsets = [0], sizes = [1], strides = [1]} : vector<16xf32> to vector<1xf32>
          %squeeze3A = vector.extract %slice3A[0] : f32 from vector<1xf32>
          %get3A_103 = arith.index_cast %scan3A_91 : i32 to index
          %get3A_104 = arith.constant 0 : index
          %get3A_105 = tpu.vector_load %arg21[%get3A_103, %get3A_104] {strides = array<i32>} : memref<64x128xf32, #tpu.memory_space<vmem>>, vector<1x16xf32>,
          %get3A_106 = vector.shape_cast %get3A_105 : vector<1x16xf32> to vector<16xf32>
          %mul3A_107 = vector.broadcast %squeeze3A : f32 to vector<16xf32>
          %mul3A_108 = arith.mulf %get3A_106, %mul3A_107 : vector<16xf32>
          %swap3A = arith.index_cast %scan3A_91 : i32 to index
          %swap3A_109 = arith.constant 0 : index
          %swap3A_110 = tpu.vector_load %arg21[%swap3A, %swap3A_109] {strides = array<i32>} : memref<64x128xf32, #tpu.memory_space<vmem>>, vector<1x16xf32>,
          %swap3A_111 = vector.shape_cast %swap3A_110 : vector<1x16xf32> to vector<16xf32>
          %swap3A_112 = vector.shape_cast %mul3A_108 : vector<16xf32> to vector<1x16xf32>
          tpu.vector_store %arg21[%swap3A, %swap3A_109], %swap3A_112 {strides = array<i32>} : memref<64x128xf32, #tpu.memory_space<vmem>>, vector<1x16xf32>,
          %slice3A_113 = vector.extract_strided_slice %exp3A {offsets = [1], sizes = [1], strides = [1]} : vector<16xf32> to vector<1xf32>
          %squeeze3A_114 = vector.extract %slice3A_113[0] : f32 from vector<1xf32>
          %get3A_115 = arith.index_cast %scan3A_91 : i32 to index
          %get3A_116 = arith.constant 16 : index
          %get3A_117 = tpu.vector_load %arg21[%get3A_115, %get3A_116] {strides = array<i32>} : memref<64x128xf32, #tpu.memory_space<vmem>>, vector<1x16xf32>,
          %get3A_118 = vector.shape_cast %get3A_117 : vector<1x16xf32> to vector<16xf32>
          %mul3A_119 = vector.broadcast %squeeze3A_114 : f32 to vector<16xf32>
          %mul3A_120 = arith.mulf %get3A_118, %mul3A_119 : vector<16xf32>
          %swap3A_121 = arith.index_cast %scan3A_91 : i32 to index
          %swap3A_122 = arith.constant 16 : index
          %swap3A_123 = tpu.vector_load %arg21[%swap3A_121, %swap3A_122] {strides = array<i32>} : memref<64x128xf32, #tpu.memory_space<vmem>>, vector<1x16xf32>,
          %swap3A_124 = vector.shape_cast %swap3A_123 : vector<1x16xf32> to vector<16xf32>
          %swap3A_125 = vector.shape_cast %mul3A_120 : vector<16xf32> to vector<1x16xf32>
          tpu.vector_store %arg21[%swap3A_121, %swap3A_122], %swap3A_125 {strides = array<i32>} : memref<64x128xf32, #tpu.memory_space<vmem>>, vector<1x16xf32>,
          %slice3A_126 = vector.extract_strided_slice %exp3A {offsets = [2], sizes = [1], strides = [1]} : vector<16xf32> to vector<1xf32>
          %squeeze3A_127 = vector.extract %slice3A_126[0] : f32 from vector<1xf32>
          %get3A_128 = arith.index_cast %scan3A_91 : i32 to index
          %get3A_129 = arith.constant 32 : index
          %get3A_130 = tpu.vector_load %arg21[%get3A_128, %get3A_129] {strides = array<i32>} : memref<64x128xf32, #tpu.memory_space<vmem>>, vector<1x16xf32>,
          %get3A_131 = vector.shape_cast %get3A_130 : vector<1x16xf32> to vector<16xf32>
          %mul3A_132 = vector.broadcast %squeeze3A_127 : f32 to vector<16xf32>
          %mul3A_133 = arith.mulf %get3A_131, %mul3A_132 : vector<16xf32>
          %swap3A_134 = arith.index_cast %scan3A_91 : i32 to index
          %swap3A_135 = arith.constant 32 : index
          %swap3A_136 = tpu.vector_load %arg21[%swap3A_134, %swap3A_135] {strides = array<i32>} : memref<64x128xf32, #tpu.memory_space<vmem>>, vector<1x16xf32>,
          %swap3A_137 = vector.shape_cast %swap3A_136 : vector<1x16xf32> to vector<16xf32>
          %swap3A_138 = vector.shape_cast %mul3A_133 : vector<16xf32> to vector<1x16xf32>
          tpu.vector_store %arg21[%swap3A_134, %swap3A_135], %swap3A_138 {strides = array<i32>} : memref<64x128xf32, #tpu.memory_space<vmem>>, vector<1x16xf32>,
          %slice3A_139 = vector.extract_strided_slice %exp3A {offsets = [3], sizes = [1], strides = [1]} : vector<16xf32> to vector<1xf32>
          %squeeze3A_140 = vector.extract %slice3A_139[0] : f32 from vector<1xf32>
          %get3A_141 = arith.index_cast %scan3A_91 : i32 to index
          %get3A_142 = arith.constant 48 : index
          %get3A_143 = tpu.vector_load %arg21[%get3A_141, %get3A_142] {strides = array<i32>} : memref<64x128xf32, #tpu.memory_space<vmem>>, vector<1x16xf32>,
          %get3A_144 = vector.shape_cast %get3A_143 : vector<1x16xf32> to vector<16xf32>
          %mul3A_145 = vector.broadcast %squeeze3A_140 : f32 to vector<16xf32>
          %mul3A_146 = arith.mulf %get3A_144, %mul3A_145 : vector<16xf32>
          %swap3A_147 = arith.index_cast %scan3A_91 : i32 to index
          %swap3A_148 = arith.constant 48 : index
          %swap3A_149 = tpu.vector_load %arg21[%swap3A_147, %swap3A_148] {strides = array<i32>} : memref<64x128xf32, #tpu.memory_space<vmem>>, vector<1x16xf32>,
          %swap3A_150 = vector.shape_cast %swap3A_149 : vector<1x16xf32> to vector<16xf32>
          %swap3A_151 = vector.shape_cast %mul3A_146 : vector<16xf32> to vector<1x16xf32>
          tpu.vector_store %arg21[%swap3A_147, %swap3A_148], %swap3A_151 {strides = array<i32>} : memref<64x128xf32, #tpu.memory_space<vmem>>, vector<1x16xf32>,
          %slice3A_152 = vector.extract_strided_slice %exp3A {offsets = [4], sizes = [1], strides = [1]} : vector<16xf32> to vector<1xf32>
          %squeeze3A_153 = vector.extract %slice3A_152[0] : f32 from vector<1xf32>
          %get3A_154 = arith.index_cast %scan3A_91 : i32 to index
          %get3A_155 = arith.constant 64 : index
          %get3A_156 = tpu.vector_load %arg21[%get3A_154, %get3A_155] {strides = array<i32>} : memref<64x128xf32, #tpu.memory_space<vmem>>, vector<1x16xf32>,
          %get3A_157 = vector.shape_cast %get3A_156 : vector<1x16xf32> to vector<16xf32>
          %mul3A_158 = vector.broadcast %squeeze3A_153 : f32 to vector<16xf32>
          %mul3A_159 = arith.mulf %get3A_157, %mul3A_158 : vector<16xf32>
          %swap3A_160 = arith.index_cast %scan3A_91 : i32 to index
          %swap3A_161 = arith.constant 64 : index
          %swap3A_162 = tpu.vector_load %arg21[%swap3A_160, %swap3A_161] {strides = array<i32>} : memref<64x128xf32, #tpu.memory_space<vmem>>, vector<1x16xf32>,
          %swap3A_163 = vector.shape_cast %swap3A_162 : vector<1x16xf32> to vector<16xf32>
          %swap3A_164 = vector.shape_cast %mul3A_159 : vector<16xf32> to vector<1x16xf32>
          tpu.vector_store %arg21[%swap3A_160, %swap3A_161], %swap3A_164 {strides = array<i32>} : memref<64x128xf32, #tpu.memory_space<vmem>>, vector<1x16xf32>,
          %slice3A_165 = vector.extract_strided_slice %exp3A {offsets = [5], sizes = [1], strides = [1]} : vector<16xf32> to vector<1xf32>
          %squeeze3A_166 = vector.extract %slice3A_165[0] : f32 from vector<1xf32>
          %get3A_167 = arith.index_cast %scan3A_91 : i32 to index
          %get3A_168 = arith.constant 80 : index
          %get3A_169 = tpu.vector_load %arg21[%get3A_167, %get3A_168] {strides = array<i32>} : memref<64x128xf32, #tpu.memory_space<vmem>>, vector<1x16xf32>,
          %get3A_170 = vector.shape_cast %get3A_169 : vector<1x16xf32> to vector<16xf32>
          %mul3A_171 = vector.broadcast %squeeze3A_166 : f32 to vector<16xf32>
          %mul3A_172 = arith.mulf %get3A_170, %mul3A_171 : vector<16xf32>
          %swap3A_173 = arith.index_cast %scan3A_91 : i32 to index
          %swap3A_174 = arith.constant 80 : index
          %swap3A_175 = tpu.vector_load %arg21[%swap3A_173, %swap3A_174] {strides = array<i32>} : memref<64x128xf32, #tpu.memory_space<vmem>>, vector<1x16xf32>,
          %swap3A_176 = vector.shape_cast %swap3A_175 : vector<1x16xf32> to vector<16xf32>
          %swap3A_177 = vector.shape_cast %mul3A_172 : vector<16xf32> to vector<1x16xf32>
          tpu.vector_store %arg21[%swap3A_173, %swap3A_174], %swap3A_177 {strides = array<i32>} : memref<64x128xf32, #tpu.memory_space<vmem>>, vector<1x16xf32>,
          %slice3A_178 = vector.extract_strided_slice %exp3A {offsets = [6], sizes = [1], strides = [1]} : vector<16xf32> to vector<1xf32>
          %squeeze3A_179 = vector.extract %slice3A_178[0] : f32 from vector<1xf32>
          %get3A_180 = arith.index_cast %scan3A_91 : i32 to index
          %get3A_181 = arith.constant 96 : index
          %get3A_182 = tpu.vector_load %arg21[%get3A_180, %get3A_181] {strides = array<i32>} : memref<64x128xf32, #tpu.memory_space<vmem>>, vector<1x16xf32>,
          %get3A_183 = vector.shape_cast %get3A_182 : vector<1x16xf32> to vector<16xf32>
          %mul3A_184 = vector.broadcast %squeeze3A_179 : f32 to vector<16xf32>
          %mul3A_185 = arith.mulf %get3A_183, %mul3A_184 : vector<16xf32>
          %swap3A_186 = arith.index_cast %scan3A_91 : i32 to index
          %swap3A_187 = arith.constant 96 : index
          %swap3A_188 = tpu.vector_load %arg21[%swap3A_186, %swap3A_187] {strides = array<i32>} : memref<64x128xf32, #tpu.memory_space<vmem>>, vector<1x16xf32>,
          %swap3A_189 = vector.shape_cast %swap3A_188 : vector<1x16xf32> to vector<16xf32>
          %swap3A_190 = vector.shape_cast %mul3A_185 : vector<16xf32> to vector<1x16xf32>
          tpu.vector_store %arg21[%swap3A_186, %swap3A_187], %swap3A_190 {strides = array<i32>} : memref<64x128xf32, #tpu.memory_space<vmem>>, vector<1x16xf32>,
          %slice3A_191 = vector.extract_strided_slice %exp3A {offsets = [7], sizes = [1], strides = [1]} : vector<16xf32> to vector<1xf32>
          %squeeze3A_192 = vector.extract %slice3A_191[0] : f32 from vector<1xf32>
          %get3A_193 = arith.index_cast %scan3A_91 : i32 to index
          %get3A_194 = arith.constant 112 : index
          %get3A_195 = tpu.vector_load %arg21[%get3A_193, %get3A_194] {strides = array<i32>} : memref<64x128xf32, #tpu.memory_space<vmem>>, vector<1x16xf32>,
          %get3A_196 = vector.shape_cast %get3A_195 : vector<1x16xf32> to vector<16xf32>
          %mul3A_197 = vector.broadcast %squeeze3A_192 : f32 to vector<16xf32>
          %mul3A_198 = arith.mulf %get3A_196, %mul3A_197 : vector<16xf32>
          %swap3A_199 = arith.index_cast %scan3A_91 : i32 to index
          %swap3A_200 = arith.constant 112 : index
          %swap3A_201 = tpu.vector_load %arg21[%swap3A_199, %swap3A_200] {strides = array<i32>} : memref<64x128xf32, #tpu.memory_space<vmem>>, vector<1x16xf32>,
          %swap3A_202 = vector.shape_cast %swap3A_201 : vector<1x16xf32> to vector<16xf32>
          %swap3A_203 = vector.shape_cast %mul3A_198 : vector<16xf32> to vector<1x16xf32>
          tpu.vector_store %arg21[%swap3A_199, %swap3A_200], %swap3A_203 {strides = array<i32>} : memref<64x128xf32, #tpu.memory_space<vmem>>, vector<1x16xf32>,
        }
        %scan3A_90 = arith.constant 64 : i32
        "tpu.region"() ({
          %run_scoped3A = tpu.sem_alloc : memref<!tpu.dma_semaphore, #tpu.memory_space<semaphore_mem>>
          %dma_start3A_91 = arith.constant 0 : i32
          %dma_start3A_92 = arith.constant 0 : i32
          %dma_start3A_93 = tpu.memref_slice %arg22[%dma_start3A_91, %dma_start3A_92] : memref<6016x128xf32, #tpu.memory_space<vmem_shared>> -> memref<6016x128xf32, #tpu.memory_space<vmem_shared>>
          tpu.enqueue_indirect_dma source(%arg21 : memref<64x128xf32, #tpu.memory_space<vmem>>) target(%dma_start3A_93 : memref<6016x128xf32, #tpu.memory_space<vmem_shared>>) offsets(%arg17 : memref<64xi32, #tpu.memory_space<vmem>>) semaphore(%run_scoped3A : memref<!tpu.dma_semaphore, #tpu.memory_space<semaphore_mem>>) {add = true}
          %dma_wait3A_94 = arith.constant 0 : i32
          %dma_wait3A_95 = arith.constant 0 : i32
          %dma_wait3A_96 = tpu.memref_slice %arg22[%dma_wait3A_94, %dma_wait3A_95] : memref<6016x128xf32, #tpu.memory_space<vmem_shared>> -> memref<6016x128xf32, #tpu.memory_space<vmem_shared>>
          tpu.wait_indirect_dma semaphore(%run_scoped3A : memref<!tpu.dma_semaphore, #tpu.memory_space<semaphore_mem>>) src(%arg21 : memref<64x128xf32, #tpu.memory_space<vmem>>) dst(%dma_wait3A_96 : memref<6016x128xf32, #tpu.memory_space<vmem_shared>>)
          tpu.yield
        }) : () -> ()
      }
      %scan3A_64 = arith.constant 158 : i32
    } else {
    }
    %eq3A_43 = arith.constant 1 : i32
    %eq3A_44 = arith.cmpi eq, %arg0, %eq3A_43 : i32
    %convert_element_type3A_45 = arith.extui %eq3A_44 : i1 to i32
    %cond3A_46 = arith.constant 0 : i32
    %cond3A_47 = arith.cmpi ne, %convert_element_type3A_45, %cond3A_46 : i32
    scf.if %cond3A_47 {
      %scan3A_59 = arith.constant 0 : i32
      %scan3A_60 = arith.constant 0 : i32
      %scan3A_61 = arith.constant 158 : i32
      %scan3A_62 = arith.addi %scan3A_60, %scan3A_61 : i32
      %scan3A_63 = arith.constant 1 : i32
      scf.for %scan3A_65 = %scan3A_60 to %scan3A_62 step %scan3A_63  : i32 {
        %mul3A = arith.constant 10112 : i32
        %mul3A_66 = arith.muli %arg1, %mul3A : i32
        %mul3A_67 = arith.constant 64 : i32
        %mul3A_68 = arith.muli %scan3A_65, %mul3A_67 : i32
        %add3A = arith.addi %mul3A_66, %mul3A_68 : i32
        "tpu.region"() ({
          %run_scoped3A = tpu.sem_alloc : memref<!tpu.dma_semaphore, #tpu.memory_space<semaphore_mem>>
          %dma_start3A_91 = tpu.memref_slice %arg7[%add3A] : memref<161792xi32, #tpu.memory_space<hbm>> -> memref<64xi32, #tpu.memory_space<hbm>>
          %dma_start3A_92 = tpu.memref_slice %arg7[%add3A] : memref<161792xi32, #tpu.memory_space<hbm>> -> memref<64xi32, #tpu.memory_space<hbm>>
          tpu.enqueue_dma source(%dma_start3A_92 : memref<64xi32, #tpu.memory_space<hbm>>) target(%arg16 : memref<64xi32, #tpu.memory_space<vmem>>) target_semaphore(%run_scoped3A : memref<!tpu.dma_semaphore, #tpu.memory_space<semaphore_mem>>)
          %dma_wait3A_93 = tpu.memref_slice %arg7[%add3A] : memref<161792xi32, #tpu.memory_space<hbm>> -> memref<64xi32, #tpu.memory_space<hbm>>
          %dma_wait3A_94 = tpu.memref_slice %arg7[%add3A] : memref<161792xi32, #tpu.memory_space<hbm>> -> memref<64xi32, #tpu.memory_space<hbm>>
          tpu.wait_dma2 semaphore(%run_scoped3A : memref<!tpu.dma_semaphore, #tpu.memory_space<semaphore_mem>>) src(%dma_wait3A_94 : memref<64xi32, #tpu.memory_space<hbm>>) dst(%arg16 : memref<64xi32, #tpu.memory_space<vmem>>)
          tpu.yield
        }) : () -> ()
        "tpu.region"() ({
          %run_scoped3A = tpu.sem_alloc : memref<!tpu.dma_semaphore, #tpu.memory_space<semaphore_mem>>
          %dma_start3A_91 = tpu.memref_slice %arg8[%add3A] : memref<161792xi32, #tpu.memory_space<hbm>> -> memref<64xi32, #tpu.memory_space<hbm>>
          %dma_start3A_92 = tpu.memref_slice %arg8[%add3A] : memref<161792xi32, #tpu.memory_space<hbm>> -> memref<64xi32, #tpu.memory_space<hbm>>
          tpu.enqueue_dma source(%dma_start3A_92 : memref<64xi32, #tpu.memory_space<hbm>>) target(%arg17 : memref<64xi32, #tpu.memory_space<vmem>>) target_semaphore(%run_scoped3A : memref<!tpu.dma_semaphore, #tpu.memory_space<semaphore_mem>>)
          %dma_wait3A_93 = tpu.memref_slice %arg8[%add3A] : memref<161792xi32, #tpu.memory_space<hbm>> -> memref<64xi32, #tpu.memory_space<hbm>>
          %dma_wait3A_94 = tpu.memref_slice %arg8[%add3A] : memref<161792xi32, #tpu.memory_space<hbm>> -> memref<64xi32, #tpu.memory_space<hbm>>
          tpu.wait_dma2 semaphore(%run_scoped3A : memref<!tpu.dma_semaphore, #tpu.memory_space<semaphore_mem>>) src(%dma_wait3A_94 : memref<64xi32, #tpu.memory_space<hbm>>) dst(%arg17 : memref<64xi32, #tpu.memory_space<vmem>>)
          tpu.yield
        }) : () -> ()
        %dma_start3A = arith.constant 0 : i32
        %dma_start3A_69 = arith.constant 0 : i32
        %dma_start3A_70 = tpu.memref_slice %arg9[%dma_start3A, %dma_start3A_69] : memref<6016x128xf32, #tpu.memory_space<hbm>> -> memref<6016x128xf32, #tpu.memory_space<hbm>>
        tpu.enqueue_indirect_dma source(%dma_start3A_70 : memref<6016x128xf32, #tpu.memory_space<hbm>>) target(%arg18 : memref<64x128xf32, #tpu.memory_space<vmem>>) offsets(%arg16 : memref<64xi32, #tpu.memory_space<vmem>>) semaphore(%arg23 : memref<!tpu.dma_semaphore, #tpu.memory_space<semaphore_mem>>)
        %dma_wait3A = arith.constant 0 : i32
        %dma_wait3A_71 = arith.constant 0 : i32
        %dma_wait3A_72 = tpu.memref_slice %arg9[%dma_wait3A, %dma_wait3A_71] : memref<6016x128xf32, #tpu.memory_space<hbm>> -> memref<6016x128xf32, #tpu.memory_space<hbm>>
        tpu.wait_indirect_dma semaphore(%arg23 : memref<!tpu.dma_semaphore, #tpu.memory_space<semaphore_mem>>) src(%dma_wait3A_72 : memref<6016x128xf32, #tpu.memory_space<hbm>>) dst(%arg18 : memref<64x128xf32, #tpu.memory_space<vmem>>)
        %dma_start3A_73 = arith.constant 0 : i32
        %dma_start3A_74 = arith.constant 0 : i32
        %dma_start3A_75 = tpu.memref_slice %arg10[%dma_start3A_73, %dma_start3A_74] : memref<6016x128xf32, #tpu.memory_space<hbm>> -> memref<6016x128xf32, #tpu.memory_space<hbm>>
        tpu.enqueue_indirect_dma source(%dma_start3A_75 : memref<6016x128xf32, #tpu.memory_space<hbm>>) target(%arg19 : memref<64x128xf32, #tpu.memory_space<vmem>>) offsets(%arg17 : memref<64xi32, #tpu.memory_space<vmem>>) semaphore(%arg23 : memref<!tpu.dma_semaphore, #tpu.memory_space<semaphore_mem>>)
        %dma_wait3A_76 = arith.constant 0 : i32
        %dma_wait3A_77 = arith.constant 0 : i32
        %dma_wait3A_78 = tpu.memref_slice %arg10[%dma_wait3A_76, %dma_wait3A_77] : memref<6016x128xf32, #tpu.memory_space<hbm>> -> memref<6016x128xf32, #tpu.memory_space<hbm>>
        tpu.wait_indirect_dma semaphore(%arg23 : memref<!tpu.dma_semaphore, #tpu.memory_space<semaphore_mem>>) src(%dma_wait3A_78 : memref<6016x128xf32, #tpu.memory_space<hbm>>) dst(%arg19 : memref<64x128xf32, #tpu.memory_space<vmem>>)
        %dma_start3A_79 = arith.constant 0 : i32
        %dma_start3A_80 = arith.constant 0 : i32
        %dma_start3A_81 = tpu.memref_slice %arg11[%dma_start3A_79, %dma_start3A_80] : memref<6016x128xf32, #tpu.memory_space<hbm>> -> memref<6016x128xf32, #tpu.memory_space<hbm>>
        tpu.enqueue_indirect_dma source(%dma_start3A_81 : memref<6016x128xf32, #tpu.memory_space<hbm>>) target(%arg21 : memref<64x128xf32, #tpu.memory_space<vmem>>) offsets(%arg16 : memref<64xi32, #tpu.memory_space<vmem>>) semaphore(%arg23 : memref<!tpu.dma_semaphore, #tpu.memory_space<semaphore_mem>>)
        %dma_wait3A_82 = arith.constant 0 : i32
        %dma_wait3A_83 = arith.constant 0 : i32
        %dma_wait3A_84 = tpu.memref_slice %arg11[%dma_wait3A_82, %dma_wait3A_83] : memref<6016x128xf32, #tpu.memory_space<hbm>> -> memref<6016x128xf32, #tpu.memory_space<hbm>>
        tpu.wait_indirect_dma semaphore(%arg23 : memref<!tpu.dma_semaphore, #tpu.memory_space<semaphore_mem>>) src(%dma_wait3A_84 : memref<6016x128xf32, #tpu.memory_space<hbm>>) dst(%arg21 : memref<64x128xf32, #tpu.memory_space<vmem>>)
        %scan3A_85 = arith.constant 0 : i32
        %scan3A_86 = arith.constant 0 : i32
        %scan3A_87 = arith.constant 64 : i32
        %scan3A_88 = arith.addi %scan3A_86, %scan3A_87 : i32
        %scan3A_89 = arith.constant 1 : i32
        scf.for %scan3A_91 = %scan3A_86 to %scan3A_88 step %scan3A_89  : i32 {
          %get3A = arith.index_cast %scan3A_91 : i32 to index
          %get3A_92 = arith.constant 0 : index
          %get3A_93 = tpu.vector_load %arg18[%get3A, %get3A_92] {strides = array<i32>} : memref<64x128xf32, #tpu.memory_space<vmem>>, vector<1x16xf32>,
          %get3A_94 = vector.shape_cast %get3A_93 : vector<1x16xf32> to vector<16xf32>
          %get3A_95 = arith.index_cast %scan3A_91 : i32 to index
          %get3A_96 = arith.constant 0 : index
          %get3A_97 = tpu.vector_load %arg19[%get3A_95, %get3A_96] {strides = array<i32>} : memref<64x128xf32, #tpu.memory_space<vmem>>, vector<1x16xf32>,
          %get3A_98 = vector.shape_cast %get3A_97 : vector<1x16xf32> to vector<16xf32>
          %add3A_99 = arith.addf %get3A_94, %get3A_98 : vector<16xf32>
          %mul3A_100 = arith.constant 2.000000e-01 : f32
          %mul3A_101 = vector.broadcast %mul3A_100 : f32 to vector<16xf32>
          %mul3A_102 = arith.mulf %add3A_99, %mul3A_101 : vector<16xf32>
          %max3A = arith.maximumf %add3A_99, %mul3A_102 : vector<16xf32>
          %exp3A = math.exp %max3A : vector<16xf32>
          %slice3A = vector.extract_strided_slice %exp3A {offsets = [0], sizes = [1], strides = [1]} : vector<16xf32> to vector<1xf32>
          %squeeze3A = vector.extract %slice3A[0] : f32 from vector<1xf32>
          %get3A_103 = arith.index_cast %scan3A_91 : i32 to index
          %get3A_104 = arith.constant 0 : index
          %get3A_105 = tpu.vector_load %arg21[%get3A_103, %get3A_104] {strides = array<i32>} : memref<64x128xf32, #tpu.memory_space<vmem>>, vector<1x16xf32>,
          %get3A_106 = vector.shape_cast %get3A_105 : vector<1x16xf32> to vector<16xf32>
          %mul3A_107 = vector.broadcast %squeeze3A : f32 to vector<16xf32>
          %mul3A_108 = arith.mulf %get3A_106, %mul3A_107 : vector<16xf32>
          %swap3A = arith.index_cast %scan3A_91 : i32 to index
          %swap3A_109 = arith.constant 0 : index
          %swap3A_110 = tpu.vector_load %arg21[%swap3A, %swap3A_109] {strides = array<i32>} : memref<64x128xf32, #tpu.memory_space<vmem>>, vector<1x16xf32>,
          %swap3A_111 = vector.shape_cast %swap3A_110 : vector<1x16xf32> to vector<16xf32>
          %swap3A_112 = vector.shape_cast %mul3A_108 : vector<16xf32> to vector<1x16xf32>
          tpu.vector_store %arg21[%swap3A, %swap3A_109], %swap3A_112 {strides = array<i32>} : memref<64x128xf32, #tpu.memory_space<vmem>>, vector<1x16xf32>,
          %slice3A_113 = vector.extract_strided_slice %exp3A {offsets = [1], sizes = [1], strides = [1]} : vector<16xf32> to vector<1xf32>
          %squeeze3A_114 = vector.extract %slice3A_113[0] : f32 from vector<1xf32>
          %get3A_115 = arith.index_cast %scan3A_91 : i32 to index
          %get3A_116 = arith.constant 16 : index
          %get3A_117 = tpu.vector_load %arg21[%get3A_115, %get3A_116] {strides = array<i32>} : memref<64x128xf32, #tpu.memory_space<vmem>>, vector<1x16xf32>,
          %get3A_118 = vector.shape_cast %get3A_117 : vector<1x16xf32> to vector<16xf32>
          %mul3A_119 = vector.broadcast %squeeze3A_114 : f32 to vector<16xf32>
          %mul3A_120 = arith.mulf %get3A_118, %mul3A_119 : vector<16xf32>
          %swap3A_121 = arith.index_cast %scan3A_91 : i32 to index
          %swap3A_122 = arith.constant 16 : index
          %swap3A_123 = tpu.vector_load %arg21[%swap3A_121, %swap3A_122] {strides = array<i32>} : memref<64x128xf32, #tpu.memory_space<vmem>>, vector<1x16xf32>,
          %swap3A_124 = vector.shape_cast %swap3A_123 : vector<1x16xf32> to vector<16xf32>
          %swap3A_125 = vector.shape_cast %mul3A_120 : vector<16xf32> to vector<1x16xf32>
          tpu.vector_store %arg21[%swap3A_121, %swap3A_122], %swap3A_125 {strides = array<i32>} : memref<64x128xf32, #tpu.memory_space<vmem>>, vector<1x16xf32>,
          %slice3A_126 = vector.extract_strided_slice %exp3A {offsets = [2], sizes = [1], strides = [1]} : vector<16xf32> to vector<1xf32>
          %squeeze3A_127 = vector.extract %slice3A_126[0] : f32 from vector<1xf32>
          %get3A_128 = arith.index_cast %scan3A_91 : i32 to index
          %get3A_129 = arith.constant 32 : index
          %get3A_130 = tpu.vector_load %arg21[%get3A_128, %get3A_129] {strides = array<i32>} : memref<64x128xf32, #tpu.memory_space<vmem>>, vector<1x16xf32>,
          %get3A_131 = vector.shape_cast %get3A_130 : vector<1x16xf32> to vector<16xf32>
          %mul3A_132 = vector.broadcast %squeeze3A_127 : f32 to vector<16xf32>
          %mul3A_133 = arith.mulf %get3A_131, %mul3A_132 : vector<16xf32>
          %swap3A_134 = arith.index_cast %scan3A_91 : i32 to index
          %swap3A_135 = arith.constant 32 : index
          %swap3A_136 = tpu.vector_load %arg21[%swap3A_134, %swap3A_135] {strides = array<i32>} : memref<64x128xf32, #tpu.memory_space<vmem>>, vector<1x16xf32>,
          %swap3A_137 = vector.shape_cast %swap3A_136 : vector<1x16xf32> to vector<16xf32>
          %swap3A_138 = vector.shape_cast %mul3A_133 : vector<16xf32> to vector<1x16xf32>
          tpu.vector_store %arg21[%swap3A_134, %swap3A_135], %swap3A_138 {strides = array<i32>} : memref<64x128xf32, #tpu.memory_space<vmem>>, vector<1x16xf32>,
          %slice3A_139 = vector.extract_strided_slice %exp3A {offsets = [3], sizes = [1], strides = [1]} : vector<16xf32> to vector<1xf32>
          %squeeze3A_140 = vector.extract %slice3A_139[0] : f32 from vector<1xf32>
          %get3A_141 = arith.index_cast %scan3A_91 : i32 to index
          %get3A_142 = arith.constant 48 : index
          %get3A_143 = tpu.vector_load %arg21[%get3A_141, %get3A_142] {strides = array<i32>} : memref<64x128xf32, #tpu.memory_space<vmem>>, vector<1x16xf32>,
          %get3A_144 = vector.shape_cast %get3A_143 : vector<1x16xf32> to vector<16xf32>
          %mul3A_145 = vector.broadcast %squeeze3A_140 : f32 to vector<16xf32>
          %mul3A_146 = arith.mulf %get3A_144, %mul3A_145 : vector<16xf32>
          %swap3A_147 = arith.index_cast %scan3A_91 : i32 to index
          %swap3A_148 = arith.constant 48 : index
          %swap3A_149 = tpu.vector_load %arg21[%swap3A_147, %swap3A_148] {strides = array<i32>} : memref<64x128xf32, #tpu.memory_space<vmem>>, vector<1x16xf32>,
          %swap3A_150 = vector.shape_cast %swap3A_149 : vector<1x16xf32> to vector<16xf32>
          %swap3A_151 = vector.shape_cast %mul3A_146 : vector<16xf32> to vector<1x16xf32>
          tpu.vector_store %arg21[%swap3A_147, %swap3A_148], %swap3A_151 {strides = array<i32>} : memref<64x128xf32, #tpu.memory_space<vmem>>, vector<1x16xf32>,
          %slice3A_152 = vector.extract_strided_slice %exp3A {offsets = [4], sizes = [1], strides = [1]} : vector<16xf32> to vector<1xf32>
          %squeeze3A_153 = vector.extract %slice3A_152[0] : f32 from vector<1xf32>
          %get3A_154 = arith.index_cast %scan3A_91 : i32 to index
          %get3A_155 = arith.constant 64 : index
          %get3A_156 = tpu.vector_load %arg21[%get3A_154, %get3A_155] {strides = array<i32>} : memref<64x128xf32, #tpu.memory_space<vmem>>, vector<1x16xf32>,
          %get3A_157 = vector.shape_cast %get3A_156 : vector<1x16xf32> to vector<16xf32>
          %mul3A_158 = vector.broadcast %squeeze3A_153 : f32 to vector<16xf32>
          %mul3A_159 = arith.mulf %get3A_157, %mul3A_158 : vector<16xf32>
          %swap3A_160 = arith.index_cast %scan3A_91 : i32 to index
          %swap3A_161 = arith.constant 64 : index
          %swap3A_162 = tpu.vector_load %arg21[%swap3A_160, %swap3A_161] {strides = array<i32>} : memref<64x128xf32, #tpu.memory_space<vmem>>, vector<1x16xf32>,
          %swap3A_163 = vector.shape_cast %swap3A_162 : vector<1x16xf32> to vector<16xf32>
          %swap3A_164 = vector.shape_cast %mul3A_159 : vector<16xf32> to vector<1x16xf32>
          tpu.vector_store %arg21[%swap3A_160, %swap3A_161], %swap3A_164 {strides = array<i32>} : memref<64x128xf32, #tpu.memory_space<vmem>>, vector<1x16xf32>,
          %slice3A_165 = vector.extract_strided_slice %exp3A {offsets = [5], sizes = [1], strides = [1]} : vector<16xf32> to vector<1xf32>
          %squeeze3A_166 = vector.extract %slice3A_165[0] : f32 from vector<1xf32>
          %get3A_167 = arith.index_cast %scan3A_91 : i32 to index
          %get3A_168 = arith.constant 80 : index
          %get3A_169 = tpu.vector_load %arg21[%get3A_167, %get3A_168] {strides = array<i32>} : memref<64x128xf32, #tpu.memory_space<vmem>>, vector<1x16xf32>,
          %get3A_170 = vector.shape_cast %get3A_169 : vector<1x16xf32> to vector<16xf32>
          %mul3A_171 = vector.broadcast %squeeze3A_166 : f32 to vector<16xf32>
          %mul3A_172 = arith.mulf %get3A_170, %mul3A_171 : vector<16xf32>
          %swap3A_173 = arith.index_cast %scan3A_91 : i32 to index
          %swap3A_174 = arith.constant 80 : index
          %swap3A_175 = tpu.vector_load %arg21[%swap3A_173, %swap3A_174] {strides = array<i32>} : memref<64x128xf32, #tpu.memory_space<vmem>>, vector<1x16xf32>,
          %swap3A_176 = vector.shape_cast %swap3A_175 : vector<1x16xf32> to vector<16xf32>
          %swap3A_177 = vector.shape_cast %mul3A_172 : vector<16xf32> to vector<1x16xf32>
          tpu.vector_store %arg21[%swap3A_173, %swap3A_174], %swap3A_177 {strides = array<i32>} : memref<64x128xf32, #tpu.memory_space<vmem>>, vector<1x16xf32>,
          %slice3A_178 = vector.extract_strided_slice %exp3A {offsets = [6], sizes = [1], strides = [1]} : vector<16xf32> to vector<1xf32>
          %squeeze3A_179 = vector.extract %slice3A_178[0] : f32 from vector<1xf32>
          %get3A_180 = arith.index_cast %scan3A_91 : i32 to index
          %get3A_181 = arith.constant 96 : index
          %get3A_182 = tpu.vector_load %arg21[%get3A_180, %get3A_181] {strides = array<i32>} : memref<64x128xf32, #tpu.memory_space<vmem>>, vector<1x16xf32>,
          %get3A_183 = vector.shape_cast %get3A_182 : vector<1x16xf32> to vector<16xf32>
          %mul3A_184 = vector.broadcast %squeeze3A_179 : f32 to vector<16xf32>
          %mul3A_185 = arith.mulf %get3A_183, %mul3A_184 : vector<16xf32>
          %swap3A_186 = arith.index_cast %scan3A_91 : i32 to index
          %swap3A_187 = arith.constant 96 : index
          %swap3A_188 = tpu.vector_load %arg21[%swap3A_186, %swap3A_187] {strides = array<i32>} : memref<64x128xf32, #tpu.memory_space<vmem>>, vector<1x16xf32>,
          %swap3A_189 = vector.shape_cast %swap3A_188 : vector<1x16xf32> to vector<16xf32>
          %swap3A_190 = vector.shape_cast %mul3A_185 : vector<16xf32> to vector<1x16xf32>
          tpu.vector_store %arg21[%swap3A_186, %swap3A_187], %swap3A_190 {strides = array<i32>} : memref<64x128xf32, #tpu.memory_space<vmem>>, vector<1x16xf32>,
          %slice3A_191 = vector.extract_strided_slice %exp3A {offsets = [7], sizes = [1], strides = [1]} : vector<16xf32> to vector<1xf32>
          %squeeze3A_192 = vector.extract %slice3A_191[0] : f32 from vector<1xf32>
          %get3A_193 = arith.index_cast %scan3A_91 : i32 to index
          %get3A_194 = arith.constant 112 : index
          %get3A_195 = tpu.vector_load %arg21[%get3A_193, %get3A_194] {strides = array<i32>} : memref<64x128xf32, #tpu.memory_space<vmem>>, vector<1x16xf32>,
          %get3A_196 = vector.shape_cast %get3A_195 : vector<1x16xf32> to vector<16xf32>
          %mul3A_197 = vector.broadcast %squeeze3A_192 : f32 to vector<16xf32>
          %mul3A_198 = arith.mulf %get3A_196, %mul3A_197 : vector<16xf32>
          %swap3A_199 = arith.index_cast %scan3A_91 : i32 to index
          %swap3A_200 = arith.constant 112 : index
          %swap3A_201 = tpu.vector_load %arg21[%swap3A_199, %swap3A_200] {strides = array<i32>} : memref<64x128xf32, #tpu.memory_space<vmem>>, vector<1x16xf32>,
          %swap3A_202 = vector.shape_cast %swap3A_201 : vector<1x16xf32> to vector<16xf32>
          %swap3A_203 = vector.shape_cast %mul3A_198 : vector<16xf32> to vector<1x16xf32>
          tpu.vector_store %arg21[%swap3A_199, %swap3A_200], %swap3A_203 {strides = array<i32>} : memref<64x128xf32, #tpu.memory_space<vmem>>, vector<1x16xf32>,
        }
        %scan3A_90 = arith.constant 64 : i32
        "tpu.region"() ({
          %run_scoped3A = tpu.sem_alloc : memref<!tpu.dma_semaphore, #tpu.memory_space<semaphore_mem>>
          %dma_start3A_91 = arith.constant 0 : i32
          %dma_start3A_92 = arith.constant 0 : i32
          %dma_start3A_93 = tpu.memref_slice %arg22[%dma_start3A_91, %dma_start3A_92] : memref<6016x128xf32, #tpu.memory_space<vmem_shared>> -> memref<6016x128xf32, #tpu.memory_space<vmem_shared>>
          tpu.enqueue_indirect_dma source(%arg21 : memref<64x128xf32, #tpu.memory_space<vmem>>) target(%dma_start3A_93 : memref<6016x128xf32, #tpu.memory_space<vmem_shared>>) offsets(%arg17 : memref<64xi32, #tpu.memory_space<vmem>>) semaphore(%run_scoped3A : memref<!tpu.dma_semaphore, #tpu.memory_space<semaphore_mem>>) {add = true}
          %dma_wait3A_94 = arith.constant 0 : i32
          %dma_wait3A_95 = arith.constant 0 : i32
          %dma_wait3A_96 = tpu.memref_slice %arg22[%dma_wait3A_94, %dma_wait3A_95] : memref<6016x128xf32, #tpu.memory_space<vmem_shared>> -> memref<6016x128xf32, #tpu.memory_space<vmem_shared>>
          tpu.wait_indirect_dma semaphore(%run_scoped3A : memref<!tpu.dma_semaphore, #tpu.memory_space<semaphore_mem>>) src(%arg21 : memref<64x128xf32, #tpu.memory_space<vmem>>) dst(%dma_wait3A_96 : memref<6016x128xf32, #tpu.memory_space<vmem_shared>>)
          tpu.yield
        }) : () -> ()
      }
      %scan3A_64 = arith.constant 158 : i32
    } else {
    }
    %barrier3A_48 = arith.constant 0 : index
    tpu.barrier barrier_id(%barrier3A_48)
    %eq3A_49 = arith.constant 0 : i32
    %eq3A_50 = arith.cmpi eq, %arg0, %eq3A_49 : i32
    %convert_element_type3A_51 = arith.extui %eq3A_50 : i1 to i32
    %cond3A_52 = arith.constant 0 : i32
    %cond3A_53 = arith.cmpi ne, %convert_element_type3A_51, %cond3A_52 : i32
    scf.if %cond3A_53 {
      %mul3A = arith.constant 376 : i32
      %mul3A_59 = arith.muli %arg1, %mul3A : i32
      "tpu.region"() ({
        %run_scoped3A = tpu.sem_alloc : memref<!tpu.dma_semaphore, #tpu.memory_space<semaphore_mem>>
        %dma_start3A = arith.constant 0 : i32
        %dma_start3A_60 = tpu.memref_slice %arg12[%mul3A_59, %dma_start3A] : memref<6016x128xf32, #tpu.memory_space<hbm>> -> memref<376x128xf32, #tpu.memory_space<hbm>>
        %dma_start3A_61 = arith.constant 0 : i32
        %dma_start3A_62 = tpu.memref_slice %arg22[%mul3A_59, %dma_start3A_61] : memref<6016x128xf32, #tpu.memory_space<vmem_shared>> -> memref<376x128xf32, #tpu.memory_space<vmem_shared>>
        tpu.enqueue_dma source(%dma_start3A_62 : memref<376x128xf32, #tpu.memory_space<vmem_shared>>) target(%dma_start3A_60 : memref<376x128xf32, #tpu.memory_space<hbm>>) target_semaphore(%run_scoped3A : memref<!tpu.dma_semaphore, #tpu.memory_space<semaphore_mem>>)
        %dma_wait3A = arith.constant 0 : i32
        %dma_wait3A_63 = tpu.memref_slice %arg12[%mul3A_59, %dma_wait3A] : memref<6016x128xf32, #tpu.memory_space<hbm>> -> memref<376x128xf32, #tpu.memory_space<hbm>>
        %dma_wait3A_64 = arith.constant 0 : i32
        %dma_wait3A_65 = tpu.memref_slice %arg22[%mul3A_59, %dma_wait3A_64] : memref<6016x128xf32, #tpu.memory_space<vmem_shared>> -> memref<376x128xf32, #tpu.memory_space<vmem_shared>>
        tpu.wait_dma2 semaphore(%run_scoped3A : memref<!tpu.dma_semaphore, #tpu.memory_space<semaphore_mem>>) src(%dma_wait3A_65 : memref<376x128xf32, #tpu.memory_space<vmem_shared>>) dst(%dma_wait3A_63 : memref<376x128xf32, #tpu.memory_space<hbm>>)
        tpu.yield
      }) : () -> ()
    } else {
    }
    %eq3A_54 = arith.constant 1 : i32
    %eq3A_55 = arith.cmpi eq, %arg0, %eq3A_54 : i32
    %convert_element_type3A_56 = arith.extui %eq3A_55 : i1 to i32
    %cond3A_57 = arith.constant 0 : i32
    %cond3A_58 = arith.cmpi ne, %convert_element_type3A_56, %cond3A_57 : i32
    scf.if %cond3A_58 {
      %mul3A = arith.constant 376 : i32
      %mul3A_59 = arith.muli %arg1, %mul3A : i32
      "tpu.region"() ({
        %run_scoped3A = tpu.sem_alloc : memref<!tpu.dma_semaphore, #tpu.memory_space<semaphore_mem>>
        %dma_start3A = arith.constant 0 : i32
        %dma_start3A_60 = tpu.memref_slice %arg14[%mul3A_59, %dma_start3A] : memref<6016x128xf32, #tpu.memory_space<hbm>> -> memref<376x128xf32, #tpu.memory_space<hbm>>
        %dma_start3A_61 = arith.constant 0 : i32
        %dma_start3A_62 = tpu.memref_slice %arg22[%mul3A_59, %dma_start3A_61] : memref<6016x128xf32, #tpu.memory_space<vmem_shared>> -> memref<376x128xf32, #tpu.memory_space<vmem_shared>>
        tpu.enqueue_dma source(%dma_start3A_62 : memref<376x128xf32, #tpu.memory_space<vmem_shared>>) target(%dma_start3A_60 : memref<376x128xf32, #tpu.memory_space<hbm>>) target_semaphore(%run_scoped3A : memref<!tpu.dma_semaphore, #tpu.memory_space<semaphore_mem>>)
        %dma_wait3A = arith.constant 0 : i32
        %dma_wait3A_63 = tpu.memref_slice %arg14[%mul3A_59, %dma_wait3A] : memref<6016x128xf32, #tpu.memory_space<hbm>> -> memref<376x128xf32, #tpu.memory_space<hbm>>
        %dma_wait3A_64 = arith.constant 0 : i32
        %dma_wait3A_65 = tpu.memref_slice %arg22[%mul3A_59, %dma_wait3A_64] : memref<6016x128xf32, #tpu.memory_space<vmem_shared>> -> memref<376x128xf32, #tpu.memory_space<vmem_shared>>
        tpu.wait_dma2 semaphore(%run_scoped3A : memref<!tpu.dma_semaphore, #tpu.memory_space<semaphore_mem>>) src(%dma_wait3A_65 : memref<376x128xf32, #tpu.memory_space<vmem_shared>>) dst(%dma_wait3A_63 : memref<376x128xf32, #tpu.memory_space<hbm>>)
        tpu.yield
      }) : () -> ()
    } else {
    }
    return
  }
}

module attributes {stable_mosaic.version = 14 : i64} {
  func.func @_proj_body(%arg0: i32, %arg1: memref<1000x300xf32, #tpu.memory_space<vmem>>, %arg2: memref<300x128xf32, #tpu.memory_space<vmem>>, %arg3: memref<128xf32, #tpu.memory_space<vmem>>, %arg4: memref<1000x128xf32, #tpu.memory_space<vmem>>) attributes {dimension_semantics = [#tpu.dimension_semantics<arbitrary>], iteration_bounds = array<i64: 3>, scalar_prefetch = 0 : i64, scratch_operands = 0 : i64, tpu.core_type = #tpu.core_type<tc>, window_params = [{transform_indices = @transform_0, window_bounds = array<i64: 1000, 300>}, {pipeline_mode = #tpu.pipeline_mode<synchronous>, transform_indices = @transform_1, window_bounds = array<i64: 300, 128>}, {pipeline_mode = #tpu.pipeline_mode<synchronous>, transform_indices = @transform_2, window_bounds = array<i64: 128>}, {transform_indices = @transform_3, window_bounds = array<i64: 1000, 128>}]} {
    %get3A = arith.constant 0 : index
    %get3A_0 = arith.constant 0 : index
    %get3A_1 = vector.load %arg1[%get3A, %get3A_0] : memref<1000x300xf32, #tpu.memory_space<vmem>>, vector<1000x300xf32>
    %get3A_2 = arith.constant 0 : index
    %get3A_3 = arith.constant 0 : index
    %get3A_4 = vector.load %arg2[%get3A_2, %get3A_3] : memref<300x128xf32, #tpu.memory_space<vmem>>, vector<300x128xf32>
    %dot_general3A = arith.constant dense<0.000000e+00> : vector<1000x128xf32>
    %dot_general3A_5 = tpu.matmul %get3A_1, %get3A_4, %dot_general3A {dimension_numbers = #tpu.dot_dimension_numbers<[1], [0], [0], [1], [0, 0, 1, 1], [], []>, transpose_lhs_hint = false} : vector<1000x300xf32>, vector<300x128xf32>, vector<1000x128xf32> -> vector<1000x128xf32>
    %get3A_6 = arith.constant 0 : index
    %get3A_7 = vector.load %arg3[%get3A_6] : memref<128xf32, #tpu.memory_space<vmem>>, vector<128xf32>
    %broadcast_in_dim3A = vector.shape_cast %get3A_7 : vector<128xf32> to vector<1x128xf32>
    %add3A = vector.broadcast %broadcast_in_dim3A : vector<1x128xf32> to vector<1000x128xf32>
    %add3A_8 = arith.addf %dot_general3A_5, %add3A : vector<1000x128xf32>
    %swap3A = arith.constant 0 : index
    %swap3A_9 = arith.constant 0 : index
    %swap3A_10 = vector.load %arg4[%swap3A, %swap3A_9] : memref<1000x128xf32, #tpu.memory_space<vmem>>, vector<1000x128xf32>
    tpu.vector_store %arg4[%swap3A, %swap3A_9], %add3A_8 {strides = array<i32>} : memref<1000x128xf32, #tpu.memory_space<vmem>>, vector<1000x128xf32>,
    return
  }
  func.func @transform_0(%arg0: i32) -> (i32, i32) {
    %c0_i32 = arith.constant 0 : i32
    %c0_i32_0 = arith.constant 0 : i32
    return %arg0, %c0_i32 : i32, i32
  }
  func.func @transform_1(%arg0: i32) -> (i32, i32) {
    %c0_i32 = arith.constant 0 : i32
    %c0_i32_0 = arith.constant 0 : i32
    %c0_i32_1 = arith.constant 0 : i32
    return %c0_i32, %c0_i32_0 : i32, i32
  }
  func.func @transform_2(%arg0: i32) -> i32 {
    %c0_i32 = arith.constant 0 : i32
    %c0_i32_0 = arith.constant 0 : i32
    return %c0_i32 : i32
  }
  func.func @transform_3(%arg0: i32) -> (i32, i32) {
    %c0_i32 = arith.constant 0 : i32
    %c0_i32_0 = arith.constant 0 : i32
    return %arg0, %c0_i32 : i32, i32
  }
}

module attributes {stable_mosaic.version = 14 : i64} {
  func.func @_proj_body(%arg0: i32, %arg1: memref<1000x300xf32, #tpu.memory_space<vmem>>, %arg2: memref<300x128xf32, #tpu.memory_space<vmem>>, %arg3: memref<128xf32, #tpu.memory_space<vmem>>, %arg4: memref<1000x128xf32, #tpu.memory_space<vmem>>) attributes {dimension_semantics = [#tpu.dimension_semantics<arbitrary>], iteration_bounds = array<i64: 1>, scalar_prefetch = 0 : i64, scratch_operands = 0 : i64, tpu.core_type = #tpu.core_type<tc>, window_params = [{transform_indices = @transform_0, window_bounds = array<i64: 1000, 300>}, {pipeline_mode = #tpu.pipeline_mode<synchronous>, transform_indices = @transform_1, window_bounds = array<i64: 300, 128>}, {pipeline_mode = #tpu.pipeline_mode<synchronous>, transform_indices = @transform_2, window_bounds = array<i64: 128>}, {transform_indices = @transform_3, window_bounds = array<i64: 1000, 128>}]} {
    %get3A = arith.constant 0 : index
    %get3A_0 = arith.constant 0 : index
    %get3A_1 = vector.load %arg1[%get3A, %get3A_0] : memref<1000x300xf32, #tpu.memory_space<vmem>>, vector<1000x300xf32>
    %get3A_2 = arith.constant 0 : index
    %get3A_3 = arith.constant 0 : index
    %get3A_4 = vector.load %arg2[%get3A_2, %get3A_3] : memref<300x128xf32, #tpu.memory_space<vmem>>, vector<300x128xf32>
    %dot_general3A = arith.constant dense<0.000000e+00> : vector<1000x128xf32>
    %dot_general3A_5 = tpu.matmul %get3A_1, %get3A_4, %dot_general3A {dimension_numbers = #tpu.dot_dimension_numbers<[1], [0], [0], [1], [0, 0, 1, 1], [], []>, transpose_lhs_hint = false} : vector<1000x300xf32>, vector<300x128xf32>, vector<1000x128xf32> -> vector<1000x128xf32>
    %get3A_6 = arith.constant 0 : index
    %get3A_7 = vector.load %arg3[%get3A_6] : memref<128xf32, #tpu.memory_space<vmem>>, vector<128xf32>
    %broadcast_in_dim3A = vector.shape_cast %get3A_7 : vector<128xf32> to vector<1x128xf32>
    %add3A = vector.broadcast %broadcast_in_dim3A : vector<1x128xf32> to vector<1000x128xf32>
    %add3A_8 = arith.addf %dot_general3A_5, %add3A : vector<1000x128xf32>
    %swap3A = arith.constant 0 : index
    %swap3A_9 = arith.constant 0 : index
    %swap3A_10 = vector.load %arg4[%swap3A, %swap3A_9] : memref<1000x128xf32, #tpu.memory_space<vmem>>, vector<1000x128xf32>
    tpu.vector_store %arg4[%swap3A, %swap3A_9], %add3A_8 {strides = array<i32>} : memref<1000x128xf32, #tpu.memory_space<vmem>>, vector<1000x128xf32>,
    return
  }
  func.func @transform_0(%arg0: i32) -> (i32, i32) {
    %c0_i32 = arith.constant 0 : i32
    %c0_i32_0 = arith.constant 0 : i32
    return %arg0, %c0_i32 : i32, i32
  }
  func.func @transform_1(%arg0: i32) -> (i32, i32) {
    %c0_i32 = arith.constant 0 : i32
    %c0_i32_0 = arith.constant 0 : i32
    %c0_i32_1 = arith.constant 0 : i32
    return %c0_i32, %c0_i32_0 : i32, i32
  }
  func.func @transform_2(%arg0: i32) -> i32 {
    %c0_i32 = arith.constant 0 : i32
    %c0_i32_0 = arith.constant 0 : i32
    return %c0_i32 : i32
  }
  func.func @transform_3(%arg0: i32) -> (i32, i32) {
    %c0_i32 = arith.constant 0 : i32
    %c0_i32_0 = arith.constant 0 : i32
    return %arg0, %c0_i32 : i32, i32
  }
}

module attributes {stable_mosaic.version = 14 : i64} {
  func.func @_proj_body(%arg0: i32, %arg1: memref<1000x2048xf32, #tpu.memory_space<vmem>>, %arg2: memref<2048x128xf32, #tpu.memory_space<vmem>>, %arg3: memref<128xf32, #tpu.memory_space<vmem>>, %arg4: memref<1000x128xf32, #tpu.memory_space<vmem>>) attributes {dimension_semantics = [#tpu.dimension_semantics<arbitrary>], iteration_bounds = array<i64: 4>, scalar_prefetch = 0 : i64, scratch_operands = 0 : i64, tpu.core_type = #tpu.core_type<tc>, window_params = [{transform_indices = @transform_0, window_bounds = array<i64: 1000, 2048>}, {pipeline_mode = #tpu.pipeline_mode<synchronous>, transform_indices = @transform_1, window_bounds = array<i64: 2048, 128>}, {pipeline_mode = #tpu.pipeline_mode<synchronous>, transform_indices = @transform_2, window_bounds = array<i64: 128>}, {transform_indices = @transform_3, window_bounds = array<i64: 1000, 128>}]} {
    %get3A = arith.constant 0 : index
    %get3A_0 = arith.constant 0 : index
    %get3A_1 = vector.load %arg1[%get3A, %get3A_0] : memref<1000x2048xf32, #tpu.memory_space<vmem>>, vector<1000x2048xf32>
    %get3A_2 = arith.constant 0 : index
    %get3A_3 = arith.constant 0 : index
    %get3A_4 = vector.load %arg2[%get3A_2, %get3A_3] : memref<2048x128xf32, #tpu.memory_space<vmem>>, vector<2048x128xf32>
    %dot_general3A = arith.constant dense<0.000000e+00> : vector<1000x128xf32>
    %dot_general3A_5 = tpu.matmul %get3A_1, %get3A_4, %dot_general3A {dimension_numbers = #tpu.dot_dimension_numbers<[1], [0], [0], [1], [0, 0, 1, 1], [], []>, transpose_lhs_hint = false} : vector<1000x2048xf32>, vector<2048x128xf32>, vector<1000x128xf32> -> vector<1000x128xf32>
    %get3A_6 = arith.constant 0 : index
    %get3A_7 = vector.load %arg3[%get3A_6] : memref<128xf32, #tpu.memory_space<vmem>>, vector<128xf32>
    %broadcast_in_dim3A = vector.shape_cast %get3A_7 : vector<128xf32> to vector<1x128xf32>
    %add3A = vector.broadcast %broadcast_in_dim3A : vector<1x128xf32> to vector<1000x128xf32>
    %add3A_8 = arith.addf %dot_general3A_5, %add3A : vector<1000x128xf32>
    %swap3A = arith.constant 0 : index
    %swap3A_9 = arith.constant 0 : index
    %swap3A_10 = vector.load %arg4[%swap3A, %swap3A_9] : memref<1000x128xf32, #tpu.memory_space<vmem>>, vector<1000x128xf32>
    tpu.vector_store %arg4[%swap3A, %swap3A_9], %add3A_8 {strides = array<i32>} : memref<1000x128xf32, #tpu.memory_space<vmem>>, vector<1000x128xf32>,
    return
  }
  func.func @transform_0(%arg0: i32) -> (i32, i32) {
    %c0_i32 = arith.constant 0 : i32
    %c0_i32_0 = arith.constant 0 : i32
    return %arg0, %c0_i32 : i32, i32
  }
  func.func @transform_1(%arg0: i32) -> (i32, i32) {
    %c0_i32 = arith.constant 0 : i32
    %c0_i32_0 = arith.constant 0 : i32
    %c0_i32_1 = arith.constant 0 : i32
    return %c0_i32, %c0_i32_0 : i32, i32
  }
  func.func @transform_2(%arg0: i32) -> i32 {
    %c0_i32 = arith.constant 0 : i32
    %c0_i32_0 = arith.constant 0 : i32
    return %c0_i32 : i32
  }
  func.func @transform_3(%arg0: i32) -> (i32, i32) {
    %c0_i32 = arith.constant 0 : i32
    %c0_i32_0 = arith.constant 0 : i32
    return %arg0, %c0_i32 : i32, i32
  }
}

module attributes {stable_mosaic.version = 14 : i64} {
  func.func @_proj_body(%arg0: i32, %arg1: memref<1000x512xf32, #tpu.memory_space<vmem>>, %arg2: memref<512x128xf32, #tpu.memory_space<vmem>>, %arg3: memref<128xf32, #tpu.memory_space<vmem>>, %arg4: memref<1000x128xf32, #tpu.memory_space<vmem>>) attributes {dimension_semantics = [#tpu.dimension_semantics<arbitrary>], iteration_bounds = array<i64: 2>, scalar_prefetch = 0 : i64, scratch_operands = 0 : i64, tpu.core_type = #tpu.core_type<tc>, window_params = [{transform_indices = @transform_0, window_bounds = array<i64: 1000, 512>}, {pipeline_mode = #tpu.pipeline_mode<synchronous>, transform_indices = @transform_1, window_bounds = array<i64: 512, 128>}, {pipeline_mode = #tpu.pipeline_mode<synchronous>, transform_indices = @transform_2, window_bounds = array<i64: 128>}, {transform_indices = @transform_3, window_bounds = array<i64: 1000, 128>}]} {
    %get3A = arith.constant 0 : index
    %get3A_0 = arith.constant 0 : index
    %get3A_1 = vector.load %arg1[%get3A, %get3A_0] : memref<1000x512xf32, #tpu.memory_space<vmem>>, vector<1000x512xf32>
    %get3A_2 = arith.constant 0 : index
    %get3A_3 = arith.constant 0 : index
    %get3A_4 = vector.load %arg2[%get3A_2, %get3A_3] : memref<512x128xf32, #tpu.memory_space<vmem>>, vector<512x128xf32>
    %dot_general3A = arith.constant dense<0.000000e+00> : vector<1000x128xf32>
    %dot_general3A_5 = tpu.matmul %get3A_1, %get3A_4, %dot_general3A {dimension_numbers = #tpu.dot_dimension_numbers<[1], [0], [0], [1], [0, 0, 1, 1], [], []>, transpose_lhs_hint = false} : vector<1000x512xf32>, vector<512x128xf32>, vector<1000x128xf32> -> vector<1000x128xf32>
    %get3A_6 = arith.constant 0 : index
    %get3A_7 = vector.load %arg3[%get3A_6] : memref<128xf32, #tpu.memory_space<vmem>>, vector<128xf32>
    %broadcast_in_dim3A = vector.shape_cast %get3A_7 : vector<128xf32> to vector<1x128xf32>
    %add3A = vector.broadcast %broadcast_in_dim3A : vector<1x128xf32> to vector<1000x128xf32>
    %add3A_8 = arith.addf %dot_general3A_5, %add3A : vector<1000x128xf32>
    %swap3A = arith.constant 0 : index
    %swap3A_9 = arith.constant 0 : index
    %swap3A_10 = vector.load %arg4[%swap3A, %swap3A_9] : memref<1000x128xf32, #tpu.memory_space<vmem>>, vector<1000x128xf32>
    tpu.vector_store %arg4[%swap3A, %swap3A_9], %add3A_8 {strides = array<i32>} : memref<1000x128xf32, #tpu.memory_space<vmem>>, vector<1000x128xf32>,
    return
  }
  func.func @transform_0(%arg0: i32) -> (i32, i32) {
    %c0_i32 = arith.constant 0 : i32
    %c0_i32_0 = arith.constant 0 : i32
    return %arg0, %c0_i32 : i32, i32
  }
  func.func @transform_1(%arg0: i32) -> (i32, i32) {
    %c0_i32 = arith.constant 0 : i32
    %c0_i32_0 = arith.constant 0 : i32
    %c0_i32_1 = arith.constant 0 : i32
    return %c0_i32, %c0_i32_0 : i32, i32
  }
  func.func @transform_2(%arg0: i32) -> i32 {
    %c0_i32 = arith.constant 0 : i32
    %c0_i32_0 = arith.constant 0 : i32
    return %c0_i32 : i32
  }
  func.func @transform_3(%arg0: i32) -> (i32, i32) {
    %c0_i32 = arith.constant 0 : i32
    %c0_i32_0 = arith.constant 0 : i32
    return %arg0, %c0_i32 : i32, i32
  }
}

module attributes {stable_mosaic.version = 14 : i64} {
  func.func @_prep_body(%arg0: i32, %arg1: memref<376x128xf32, #tpu.memory_space<vmem>>, %arg2: memref<128x128xf32, #tpu.memory_space<vmem>>, %arg3: memref<128x128xf32, #tpu.memory_space<vmem>>, %arg4: memref<128x128xf32, #tpu.memory_space<vmem>>, %arg5: memref<376x128xf32, #tpu.memory_space<vmem>>, %arg6: memref<376x128xf32, #tpu.memory_space<vmem>>, %arg7: memref<376x128xf32, #tpu.memory_space<vmem>>) attributes {dimension_semantics = [#tpu.dimension_semantics<arbitrary>], iteration_bounds = array<i64: 16>, scalar_prefetch = 0 : i64, scratch_operands = 0 : i64, tpu.core_type = #tpu.core_type<tc>, window_params = [{transform_indices = @transform_0, window_bounds = array<i64: 376, 128>}, {pipeline_mode = #tpu.pipeline_mode<synchronous>, transform_indices = @transform_1, window_bounds = array<i64: 128, 128>}, {pipeline_mode = #tpu.pipeline_mode<synchronous>, transform_indices = @transform_2, window_bounds = array<i64: 128, 128>}, {pipeline_mode = #tpu.pipeline_mode<synchronous>, transform_indices = @transform_3, window_bounds = array<i64: 128, 128>}, {transform_indices = @transform_4, window_bounds = array<i64: 376, 128>}, {transform_indices = @transform_5, window_bounds = array<i64: 376, 128>}, {transform_indices = @transform_6, window_bounds = array<i64: 376, 128>}]} {
    %get3A = arith.constant 0 : index
    %get3A_0 = arith.constant 0 : index
    %get3A_1 = vector.load %arg1[%get3A, %get3A_0] : memref<376x128xf32, #tpu.memory_space<vmem>>, vector<376x128xf32>
    %get3A_2 = arith.constant 0 : index
    %get3A_3 = arith.constant 0 : index
    %get3A_4 = vector.load %arg2[%get3A_2, %get3A_3] : memref<128x128xf32, #tpu.memory_space<vmem>>, vector<128x128xf32>
    %dot_general3A = arith.constant dense<0.000000e+00> : vector<376x128xf32>
    %dot_general3A_5 = tpu.matmul %get3A_1, %get3A_4, %dot_general3A {dimension_numbers = #tpu.dot_dimension_numbers<[1], [0], [0], [1], [0, 0, 1, 1], [], []>, transpose_lhs_hint = false} : vector<376x128xf32>, vector<128x128xf32>, vector<376x128xf32> -> vector<376x128xf32>
    %swap3A = arith.constant 0 : index
    %swap3A_6 = arith.constant 0 : index
    %swap3A_7 = vector.load %arg5[%swap3A, %swap3A_6] : memref<376x128xf32, #tpu.memory_space<vmem>>, vector<376x128xf32>
    tpu.vector_store %arg5[%swap3A, %swap3A_6], %dot_general3A_5 {strides = array<i32>} : memref<376x128xf32, #tpu.memory_space<vmem>>, vector<376x128xf32>,
    %get3A_8 = arith.constant 0 : index
    %get3A_9 = arith.constant 0 : index
    %get3A_10 = vector.load %arg3[%get3A_8, %get3A_9] : memref<128x128xf32, #tpu.memory_space<vmem>>, vector<128x128xf32>
    %dot_general3A_11 = arith.constant dense<0.000000e+00> : vector<376x128xf32>
    %dot_general3A_12 = tpu.matmul %dot_general3A_5, %get3A_10, %dot_general3A_11 {dimension_numbers = #tpu.dot_dimension_numbers<[1], [0], [0], [1], [0, 0, 1, 1], [], []>, transpose_lhs_hint = false} : vector<376x128xf32>, vector<128x128xf32>, vector<376x128xf32> -> vector<376x128xf32>
    %swap3A_13 = arith.constant 0 : index
    %swap3A_14 = arith.constant 0 : index
    %swap3A_15 = vector.load %arg6[%swap3A_13, %swap3A_14] : memref<376x128xf32, #tpu.memory_space<vmem>>, vector<376x128xf32>
    tpu.vector_store %arg6[%swap3A_13, %swap3A_14], %dot_general3A_12 {strides = array<i32>} : memref<376x128xf32, #tpu.memory_space<vmem>>, vector<376x128xf32>,
    %get3A_16 = arith.constant 0 : index
    %get3A_17 = arith.constant 0 : index
    %get3A_18 = vector.load %arg4[%get3A_16, %get3A_17] : memref<128x128xf32, #tpu.memory_space<vmem>>, vector<128x128xf32>
    %dot_general3A_19 = arith.constant dense<0.000000e+00> : vector<376x128xf32>
    %dot_general3A_20 = tpu.matmul %dot_general3A_5, %get3A_18, %dot_general3A_19 {dimension_numbers = #tpu.dot_dimension_numbers<[1], [0], [0], [1], [0, 0, 1, 1], [], []>, transpose_lhs_hint = false} : vector<376x128xf32>, vector<128x128xf32>, vector<376x128xf32> -> vector<376x128xf32>
    %swap3A_21 = arith.constant 0 : index
    %swap3A_22 = arith.constant 0 : index
    %swap3A_23 = vector.load %arg7[%swap3A_21, %swap3A_22] : memref<376x128xf32, #tpu.memory_space<vmem>>, vector<376x128xf32>
    tpu.vector_store %arg7[%swap3A_21, %swap3A_22], %dot_general3A_20 {strides = array<i32>} : memref<376x128xf32, #tpu.memory_space<vmem>>, vector<376x128xf32>,
    return
  }
  func.func @transform_0(%arg0: i32) -> (i32, i32) {
    %c0_i32 = arith.constant 0 : i32
    %c0_i32_0 = arith.constant 0 : i32
    return %arg0, %c0_i32 : i32, i32
  }
  func.func @transform_1(%arg0: i32) -> (i32, i32) {
    %c0_i32 = arith.constant 0 : i32
    %c0_i32_0 = arith.constant 0 : i32
    %c0_i32_1 = arith.constant 0 : i32
    return %c0_i32, %c0_i32_0 : i32, i32
  }
  func.func @transform_2(%arg0: i32) -> (i32, i32) {
    %c0_i32 = arith.constant 0 : i32
    %c0_i32_0 = arith.constant 0 : i32
    %c0_i32_1 = arith.constant 0 : i32
    return %c0_i32, %c0_i32_0 : i32, i32
  }
  func.func @transform_3(%arg0: i32) -> (i32, i32) {
    %c0_i32 = arith.constant 0 : i32
    %c0_i32_0 = arith.constant 0 : i32
    %c0_i32_1 = arith.constant 0 : i32
    return %c0_i32, %c0_i32_0 : i32, i32
  }
  func.func @transform_4(%arg0: i32) -> (i32, i32) {
    %c0_i32 = arith.constant 0 : i32
    %c0_i32_0 = arith.constant 0 : i32
    return %arg0, %c0_i32 : i32, i32
  }
  func.func @transform_5(%arg0: i32) -> (i32, i32) {
    %c0_i32 = arith.constant 0 : i32
    %c0_i32_0 = arith.constant 0 : i32
    return %arg0, %c0_i32 : i32, i32
  }
  func.func @transform_6(%arg0: i32) -> (i32, i32) {
    %c0_i32 = arith.constant 0 : i32
    %c0_i32_0 = arith.constant 0 : i32
    return %arg0, %c0_i32 : i32, i32
  }
}

</mosaic_0001>

<sc_bundles>
// kernel: kernel.9.cloned.1.call-start
scs
__scs_entry_jumppad:
0x0: {  	(pc) =	sbr.rel $0x88, $3  }
0x1: {  	(tag) =	ssettag $0x0;
	lr =	simm.s32 $0x1  }
0x2: {  	[smem:$0x3F78] =	sst lr;
	_ =	strace $0xD0000000  }
0x3: {  	_ = 	snop  }
0x4: {  	_ = 	snop  }
0x5: {  	_ = 	snop  }
0x6: {  	_ = 	snop  }
0x7: {  	_ = 	snop  }
__scs_overlays_trampoline_lowered:
0x8: {  	[smem:$0x3F87] =	sst s0  }
0x9: {  	[smem:$0x3F88] =	sst s1  }
0xa: {  	[smem:$0x3F89] =	sst s2  }
0xb: {  	[smem:$0x3F8A] =	sst s3  }
0xc: {  	[smem:$0x3F8B] =	sst s4  }
0xd: {  	[smem:$0x3F8C] =	sst s5  }
0xe: {  	[smem:$0x3F8D] =	sst s6  }
0xf: {  	[smem:$0x3F8E] =	sst s7  }
0x10: {  	[smem:$0x3F8F] =	sst s8  }
0x11: {  	[smem:$0x3F90] =	sst s9;
	s0 =	simm.s32 @!p0 $0x0  }
0x12: {  	s1 =	sld [smem:$0x3F76];
	s0 =	simm.s32 @p0 $0x1  }
0x13: {  	[smem:$0x3F91] =	sst s0;
	s0 =	simm.s32 @!p1 $0x0  }
0x14: {  	s2 =	sld [smem:$0x3F75];
	s0 =	simm.s32 @p1 $0x1  }
0x15: {  	[smem:$0x3F92] =	sst s0;
	s0 =	simm.s32 @!p2 $0x0  }
0x16: {  	s3 =	sld [smem:$0x3FDB];
	s0 =	simm.s32 @p2 $0x1  }
0x17: {  	s4 =	simm.s32 $0x1BF5;
	[smem:$0x3F94] =	sst s0  }
0x18: {  	s0 =	sld [smem:$0x3F77];
	_ =	swait.ge [sflag:s4], $0x0  }
0x19: {  	s7 =	sld [smem:$0x3F78]  }
0x1a: {  	s8 =	sadd.s32 $0xFFFFE003, lr  }
0x1b: {  	s9 =	sadd.s32 $0xFFFFFEF7, lr;
	s5 =	simm.s32 $0xFFFFFFFF;
	p2 =	slt.u32 s8, $0xFFFFF086  }
0x1c: {  	p1 =	slt.u32 s9, $0xF7A;
	s5 =	simm.s32 @!p2 $0x0  }
0x1d: {  	s5 =	simm.s32 @p1 $0x1;
	p0 =	seq.s32 s7, s2  }
0x1e: {  	s7 =	smul.u32 @!p0 $0xF7A, s2;
	p2 =	seq.s32 @!p0 s5, $0x0  }
0x1f: {  	s9 =	smul.u32 $0xF7A, s1;
	s8 =	simm.s32 @!p0 $0x1BF5;
	p2 =	por !p2, p0  }
0x20: {  	[sflag:s8] =	ssyncset.s32 @!p0 $0xFFFFF086;
	s6 =	sadd.s32 @!p0 s3, s7;
	s7 =	simm.s32 @!p0 $0x108  }
0x21: {  	s3 =	sadd.s32 s3, s9;
	s6 =	sadd.s32 @!p0 $0x88, s6;
	s7 =	simm.s32 @p2 $0x1082  }
0x22: {  	[simem:s7], [sflag:s8] =	dma.local @!p0 [hbm:s6], $0xF7A  }
0x23: {  	s9 =	sor.u32 $0xD0000000, s2;
	s6 =	simm.s32 $0x108;
	_ =	swait.ge @!p0 [sflag:s8], $0x0  }
0x24: {  	s3 =	sadd.s32 $0x88, s3;
	s6 =	simm.s32 @!p1 $0x1082;
	[sflag:s4] =	ssyncset.s32 $0xFFFFF086  }
0x25: {  	[simem:s6], [sflag:s4] =	dma.local [hbm:s3], $0xF7A  }
0x26: {  	[smem:$0x3F78] =	sst s1;
	(tag) =	ssettag s2;
	_ =	strace s9  }
0x27: {  	s1 =	sld [smem:$0x3F88]  }
0x28: {  	s2 =	sld [smem:$0x3F89]  }
0x29: {  	s4 =	sld [smem:$0x3F8B]  }
0x2a: {  	p0 =	seq.s32 s5, $0x0;
	s5 =	sld [smem:$0x3F8C]  }
0x2b: {  	s6 =	sld [smem:$0x3F8D]  }
0x2c: {  	s7 =	sld [smem:$0x3F8E]  }
0x2d: {  	s3 =	simm.s32 $0x108;
	s8 =	sld [smem:$0x3F8F]  }
0x2e: {  	s3 =	simm.s32 @!p0 $0x1082;
	s9 =	sld [smem:$0x3F90]  }
0x2f: {  	lr =	sadd.s32 s0, s3;
	s0 =	sld [smem:$0x3F87]  }
0x30: {  	s3 =	sld [smem:$0x3F8A]  }
0x31: {  	[smem:$0x3F93] =	sst s10  }
0x32: {  	s10 =	sld [smem:$0x3F91];
	_ =	sdelay $0x3  }
0x33: {  	p0 =	seq.s32 s10, $0x1;
	s10 =	sld [smem:$0x3F93];
	_ =	sdelay $0x3  }
0x34: {  	[smem:$0x3F93] =	sst s10  }
0x35: {  	s10 =	sld [smem:$0x3F92];
	_ =	sdelay $0x3  }
0x36: {  	p1 =	seq.s32 s10, $0x1;
	s10 =	sld [smem:$0x3F93];
	_ =	sdelay $0x3  }
0x37: {  	[smem:$0x3F93] =	sst s10  }
0x38: {  	s10 =	sld [smem:$0x3F94]  }
0x39: {  	_ = 	snop;
	(pc) =	sbr.ind lr, $3  }
0x3a: {  	_ = 	snop  }
0x3b: {  	_ = 	snop  }
0x3c: {  	p2 =	seq.s32 s10, $0x1;
	s10 =	sld [smem:$0x3F93]  }
0x3d: {  	_ =	shalt  }
0x3e: {  	_ =	shalt  }
0x3f: {  	_ =	shalt  }
0x40: {  	_ =	shalt  }
0x41: {  	_ =	shalt  }
0x42: {  	_ =	shalt  }
0x43: {  	_ =	shalt  }
0x44: {  	_ =	shalt  }
0x45: {  	_ =	shalt  }
0x46: {  	_ =	shalt  }
0x47: {  	_ =	shalt  }
0x48: {  	_ =	shalt  }
0x49: {  	_ =	shalt  }
0x4a: {  	_ =	shalt  }
0x4b: {  	_ =	shalt  }
0x4c: {  	_ =	shalt  }
0x4d: {  	_ =	shalt  }
0x4e: {  	_ =	shalt  }
0x4f: {  	_ =	shalt  }
0x50: {  	_ =	shalt  }
0x51: {  	_ =	shalt  }
0x52: {  	_ =	shalt  }
0x53: {  	_ =	shalt  }
0x54: {  	_ =	shalt  }
0x55: {  	_ =	shalt  }
0x56: {  	_ =	shalt  }
0x57: {  	_ =	shalt  }
0x58: {  	_ =	shalt  }
0x59: {  	_ =	shalt  }
0x5a: {  	_ =	shalt  }
0x5b: {  	_ =	shalt  }
0x5c: {  	_ =	shalt  }
0x5d: {  	_ =	shalt  }
0x5e: {  	_ =	shalt  }
0x5f: {  	_ =	shalt  }
0x60: {  	_ =	shalt  }
0x61: {  	_ =	shalt  }
0x62: {  	_ =	shalt  }
0x63: {  	_ =	shalt  }
0x64: {  	_ =	shalt  }
0x65: {  	_ =	shalt  }
0x66: {  	_ =	shalt  }
0x67: {  	_ =	shalt  }
0x68: {  	_ =	shalt  }
0x69: {  	_ =	shalt  }
0x6a: {  	_ =	shalt  }
0x6b: {  	_ =	shalt  }
0x6c: {  	_ =	shalt  }
0x6d: {  	_ =	shalt  }
0x6e: {  	_ =	shalt  }
0x6f: {  	_ =	shalt  }
0x70: {  	_ =	shalt  }
0x71: {  	_ =	shalt  }
0x72: {  	_ =	shalt  }
0x73: {  	_ =	shalt  }
0x74: {  	_ =	shalt  }
0x75: {  	_ =	shalt  }
0x76: {  	_ =	shalt  }
0x77: {  	_ =	shalt  }
0x78: {  	_ =	shalt  }
0x79: {  	_ =	shalt  }
0x7a: {  	_ =	shalt  }
0x7b: {  	_ =	shalt  }
0x7c: {  	_ =	shalt  }
0x7d: {  	_ =	shalt  }
0x7e: {  	_ =	shalt  }
0x7f: {  	_ =	shalt  }
0x80: {  	_ =	shalt  }
0x81: {  	_ =	shalt  }
0x82: {  	_ =	shalt  }
0x83: {  	_ =	shalt  }
0x84: {  	_ =	shalt  }
0x85: {  	_ =	shalt  }
0x86: {  	_ =	shalt  }
0x87: {  	_ =	shalt  }
.Lfunc_end0:
.L_simem_size_0:
called_computation_lowered:
.L_overlay_start_0:
0x88: {  	s2 =	sld [smem:$0x3FD9]  }
0x89: {  	s3 =	sld [smem:$0x3FFE];
	_ =	sdelay $0x1  }
0x8a: {  	s1 =	srdreg.scid  }
0x8b: {  	s0 =	sand.u32 $0x1, s1  }
0x8c: {  	s16 =	sshll.u32 s0, $0xA;
	s2 =	sadd.s32 s3, s2  }
0x8d: {  	s2 =	sadd.s32 s2, s16  }
0x8e: {  	[smem:$0x3F9F] =	sst s2  }
0x8f: {  	_ = 	snop  }
0x90: {  	(tm) =	ssettm $0x1  }
0x91: {  	s17 =	sld [smem:$0x3FFB];
	_ =	sdelay $0x3  }
0x92: {  	_ =	strace s17  }
0x93: {  	s2 =	sld [smem:$0x3FFC];
	_ =	sdelay $0x3  }
0x94: {  	_ =	strace s2  }
0x95: {  	s2 =	sld [smem:$0x3FFD];
	_ =	sdelay $0x3  }
0x96: {  	_ =	strace s2  }
0x97: {  	_ =	strace $0x8FFFFFFF  }
0x98: {  	s18 =	sld [smem:$0x3FDB];
	_ =	sdelay $0x1  }
0x99: {  	s19 =	simm.s32 $_scs_section_size  }
0x9a: {  	s4 =	simm.s32 $_size__tile_overlayer_lowered;
	s5 =	simm.s32 $_tile_overlayer_lowered  }
0x9b: {  	s22 =	simm.s32 $0x1BFF;
	s21 =	sshll.u32 s5, $0x1;
	s2 =	sadd.s32 s19, s18  }
0x9c: {  	s6 =	simm.s32 $0x0;
	s20 =	sshll.u32 s4, $0x1;
	s4 =	sadd.s32 s21, s2  }
0x9d: {  	[timem:s6], [sflag:s22] =	dma.local [hbm:s4], s20  }
0x9e: {  	_ =	swait.ge [sflag:s22], s20  }
0x9f: {  	s3 =	ssub.s32 $0x0, s20;
	[sflag:s22] =	ssyncset.done $0x0  }
0xa0: {  	[sflag:s22] =	ssyncadd.s32 s3;
	_ =	sdelay $0x1  }
0xa1: {  	s23 =	simm.s32 $0x1B8B  }
0xa2: {  	_ =	swait.ge [sflag:s23], $0x1  }
0xa3: {  	[sflag:s23] =	ssyncset.done $0x0  }
0xa4: {  	s25 =	simm.s32 $0x1B8E;
	s24 =	sld [smem:$0x3FFE];
	[sflag:s23] =	ssyncadd.s32 $0xFFFFFFFF  }
0xa5: {  	s26 =	simm.s32 $execute0_lowered;
	[smem:$0x3FD2] =	sst s25  }
0xa6: {  	s4 =	sshll.u32 s26, $0x1;
	_ =	strace $0x80000046;
	[dreg:$0x1] =	wrdreg $0xFFFFFFFF  }
0xa7: {  	s28 =	simm.s32 $_size_execute0_lowered;
	s2 =	sadd.s32 s2, s4;
	[dreg:$0x0] =	wrdreg $0x0  }
0xa8: {  	s4 =	sshll.u32 s28, $0x1;
	[dreg:$0x2] =	wrdreg s2  }
0xa9: {  	[dreg:$0x3] =	wrdreg s4  }
0xaa: {  	[dreg:$0x4] =	wrdreg $0xC0  }
0xab: {  	_ =	task [dreg:s6], $0x5FFFF  }
0xac: {  	[dreg:$0x1] =	wrdreg $0xFFFFFFFF  }
0xad: {  	[dreg:$0x0] =	wrdreg $0x60  }
0xae: {  	[dreg:$0x2] =	wrdreg s24  }
0xaf: {  	[dreg:$0x3] =	wrdreg $0x81000  }
0xb0: {  	[dreg:$0x4] =	wrdreg $0x9  }
0xb1: {  	_ =	task.clear_ibuf [dreg:s6], $0x5FFFF;
	_ =	strace $0x90000046  }
0xb2: {  	s29 =	simm.s32 $0x9;
	_ =	strace $0x80000048  }
0xb3: {  	_ =	swait.ge [sflag:s29], $0x1  }
0xb4: {  	[sflag:s29] =	ssyncadd.s32 $0xFFFFFFFF  }
0xb5: {  	_ =	strace $0x90000048  }
0xb6: {  	_ =	sfence  }
0xb7: {  	s30 =	sld [smem:$0x0];
	_ =	sdelay $0x2  }
0xb8: {  	s31 =	sshll.u32 s1, $0xD;
	s1 =	sshrl.u32 s1, $0x2  }
0xb9: {  	s3 =	sand.u32 $0x4000, s31;
	s1 =	sadd.s32 s1, s30  }
0xba: {  	s0 =	sor.u32 s3, s0;
	s1 =	sshll.u32 s1, $0x11  }
0xbb: {  	s0 =	sor.u32 s1, s0  }
0xbc: {  	s0 =	sadd.s32 $0x8F2B, s0  }
0xbd: {  	[sflag:s0] =	ssyncadd.remote.s32 $0x1  }
0xbe: {  	_ =	sfence.sel $0xFFFF  }
0xbf: {  	[dreg:$0x0] =	wrdreg $0xFFFFFFFF;
	(pc) =	sbr.abs _section_cstart, $3  }
0xc0: {  	[dreg:$0x1] =	wrdreg $0xFFFFFFFF  }
0xc1: {  	_ =	task.clear_ibuf [dreg:s6], $0x2FFFF;
	_ =	strace $0x9FFFFFFF  }
0xc2: {  	(tm) =	ssettm $0x7FFFFFFF  }
0xc3: {  	_ =	shalt  }
tec
execute0_lowered:
.L_overlay_start_1:
0x0: {  	(tag) =	ssettag $0x1  }
0x1: {  	s0 =	rddreg [dreg:$0x0]  }
0x2: {  	s1 =	rddreg [dreg:$0x1];
	s2 =	simm.s32 $0x0;
	s11 =	srdreg.scid  }
0x3: {  	s17 =	stileid.u32;
	s29 =	simm.s32 $0x6100;
	s30 =	simm.s32 $0x2  }
0x4: {  	s31 =	simm.s32 $0x80;
	[smem:$0x7FF] =	sst s2;
	s3 =	sadd.s32 $0xC00, s0  }
0x5: {  	s4 =	sadd.s32 $0x5C00, s0;
	s5 =	sadd.s32 $0x68C00, s0;
	s6 =	sadd.s32 $0x80400, s0  }
0x6: {  	s7 =	sadd.s32 $0x51400, s0;
	s8 =	sadd.s32 $0x97C00, s0;
	s9 =	sadd.s32 $0x9CC00, s0  }
0x7: {  	s10 =	sadd.s32 $0x22400, s0;
	s12 =	sadd.s32 $0x39C00, s0;
	s13 =	sadd.s32 $0xAC00, s0  }
0x8: {  	s11 =	sand.u32 $0x1, s11;
	s14 =	sadd.s32 $0xD0C00, s0;
	s15 =	sadd.s32 $0xA1C00, s0  }
0x9: {  	s16 =	smul.u32 $0x2F000, s17;
	_ =	strace $0x80000047;
	[dreg:$0x3] =	wrdreg s14  }
0xa: {  	s18 =	sadd.s32 $0xE8400, s0;
	s0 =	sadd.s32 $0xB9400, s0;
	[dreg:$0x4] =	wrdreg s15  }
0xb: {  	s20 =	sshll.u32 s17, $0xD;
	s21 =	smul.u32 $0x1780, s17;
	[dreg:$0x5] =	wrdreg s18  }
0xc: {  	s23 =	sor.u32 $0x50, s17;
	s24 =	ssub.s32 $0x2, s11;
	[dreg:$0x6] =	wrdreg s0  }
0xd: {  	s18 =	smul.u32 $0x2780, s17;
	s28 =	sadd.s32 s20, s1;
	p0 =	sgt.u32 s23, $0x5D  }
0xe: {  	p1 =	sne.s32 s11, $0x0;
	s15 =	simm.s32 $0x1;
	[dreg:$0x8] =	wrdreg s21  }
0xf: {  	s19 =	sshrl.u32 s16, $0x2;
	s22 =	sadd.s32 $0x20000, s28;
	[dreg:$0x9] =	wrdreg s28  }
0x10: {  	s25 =	sshrl.u32 s24, $0x1;
	s14 =	sadd.s32 s19, s1;
	[dreg:$0xb] =	wrdreg s22  }
0x11: {  	s26 =	ssub.s32 s24, s25;
	s24 =	sadd.s32 $0x40000, s28;
	[dreg:$0x7] =	wrdreg s14  }
.Ltmp0:
0x12: {  	s25 =	sadd.s32 $0x60000, s28;
	[dreg:$0xc] =	wrdreg s24;
	(pc) =	sbr.rel .LBB2_1-.Ltmp0, $4  }
0x13: {  	s17 =	simm.s32 $0x4100;
	s0 =	smax.u32 s26, $0x1;
	[dreg:$0xe] =	wrdreg s25  }
0x14: {  	s26 =	sadd.s32 $0x80000, s28;
	[dreg:$0xa] =	wrdreg s0;
	s0 =	sshll.u32 s23, $0xD  }
0x15: {  	s16 =	simm.s32 $0x2100;
	[dreg:$0xf] =	wrdreg s26;
	s0 =	sadd.s32 s0, s1  }
0x16: {  	v0 =	vimm.f32 $0.0e+00;
	s14 =	simm.s32 $0x100;
	[dreg:$0xd] =	wrdreg s0;
	s0 =	simm.s32 $0x40  }
.LBB2_21:
0x17: {  	s21 =	rddreg [dreg:$0x8]  }
0x18: {  	[bflag:$0x0] =	sbarrier.arrive $0xFFFF;
	s20 =	sadd.s32 s20, s21  }
0x19: {  	[hbm:s20], [sflag:s11] =	dma.local [spmem:s19], $0x1780  }
0x1a: {  	_ =	swait.ge [sflag:s30], $0x1780  }
0x1b: {  	s2 =	sadd.s32 $0x1, s2;
	s26 =	rddreg [dreg:$0xa]  }
0x1c: {  	p2 =	sne.s32 s2, s26  }
.Ltmp1:
0x1d: {  	_ = 	snop;
	(pc) =	sbr.rel @!p2 .LBB2_22-.Ltmp1, $3  }
0x1e: {  	_ =	sdelay $0x1  }
0x1f: {  	[sflag:s30] =	ssyncset.done $0x0  }
0x20: {  	s28 =	rddreg [dreg:$0x9];
	[sflag:s30] =	ssyncadd.s32 $0xFFFFE880  }
.LBB2_1:
0x21: {  	s11 =	simm.s32 $0x40;
	s19 =	simm.s32 $0x0  }
.LBB2_2:
0x22: {  	p2 =	sne.s32 s11, $0x7FC0;
	[tilespmem:s19+$0x6100] =	vst v0;
	s20 =	smov.u32 s11;
	s11 =	sadd.s32 $0x40, s11  }
.Ltmp2:
0x23: {  	[tilespmem:s19+$0x4100] =	vst v0;
	(pc) =	sbr.rel @p2 .LBB2_2-.Ltmp2, $2  }
0x24: {  	_ =	sdelay $0x2  }
0x25: {  	s19 =	sshra.s32 s20, $0x2  }
0x26: {  	[tilespmem:s19+$0x6100] =	vst v0  }
0x27: {  	[tilespmem:s19+$0x4100] =	vst v0  }
0x28: {  	[spmem:s28] =	stream.linear.scatter [tilespmem:s29], [sflag:$0x2], $0x2000, $0x38;
	[tilespmem:$0x13D00] =	vst v63  }
0x29: {  	_ =	swait.ge [sflag:s30], $0x2000  }
0x2a: {  	[sflag:s30] =	ssyncset.done $0x0  }
0x2b: {  	s11 =	rddreg [dreg:$0xb];
	[sflag:s30] =	ssyncadd.s32 $0xFFFFE000  }
0x2c: {  	[spmem:s11] =	stream.linear.scatter [tilespmem:s29], [sflag:$0x2], $0x2000, $0x38;
	[tilespmem:$0x13D00] =	vst v63  }
0x2d: {  	_ =	swait.ge [sflag:s30], $0x2000  }
0x2e: {  	[sflag:s30] =	ssyncset.done $0x0  }
0x2f: {  	s24 =	rddreg [dreg:$0xc];
	[sflag:s30] =	ssyncadd.s32 $0xFFFFE000  }
0x30: {  	[spmem:s24] =	stream.linear.scatter [tilespmem:s29], [sflag:$0x2], $0x2000, $0x38;
	[tilespmem:$0x13D00] =	vst v63  }
0x31: {  	_ =	swait.ge [sflag:s30], $0x2000  }
0x32: {  	[sflag:s30] =	ssyncset.done $0x0  }
0x33: {  	s25 =	rddreg [dreg:$0xe];
	[sflag:s30] =	ssyncadd.s32 $0xFFFFE000  }
0x34: {  	[spmem:s25] =	stream.linear.scatter [tilespmem:s29], [sflag:$0x2], $0x2000, $0x38;
	[tilespmem:$0x13D00] =	vst v63  }
0x35: {  	_ =	swait.ge [sflag:s30], $0x2000  }
0x36: {  	[sflag:s30] =	ssyncset.done $0x0  }
0x37: {  	s26 =	rddreg [dreg:$0xf];
	[sflag:s30] =	ssyncadd.s32 $0xFFFFE000  }
0x38: {  	[spmem:s26] =	stream.linear.scatter [tilespmem:s29], [sflag:$0x2], $0x2000, $0x38;
	[tilespmem:$0x13D00] =	vst v63  }
0x39: {  	_ =	swait.ge [sflag:s30], $0x2000  }
0x3a: {  	[sflag:s30] =	ssyncset.done $0x0  }
0x3b: {  	s11 =	simm.s32 @!p0 $0x6100;
	s19 =	rddreg [dreg:$0xd];
	[sflag:s30] =	ssyncadd.s32 $0xFFFFE000  }
0x3c: {  	[spmem:s19] =	stream.linear.scatter @!p0 [tilespmem:s11], [sflag:$0x2], $0x2000, $0x38;
	[tilespmem:$0x13D00] =	vst v63  }
0x3d: {  	s11 =	simm.s32 @!p0 $0x2  }
.Ltmp3:
0x3e: {  	_ =	swait.ge @!p0 [sflag:s11], $0x2000;
	(pc) =	sbr.rel @p1 .LBB2_8-.Ltmp3, $4  }
0x3f: {  	[sflag:s11] =	ssyncset.done @!p0 $0x0  }
0x40: {  	[sflag:s11] =	ssyncadd.s32 @!p0 $0xFFFFE000  }
0x41: {  	[bflag:$0x0] =	sbarrier.arrive $0xFFFF  }
0x42: {  	s20 =	simm.s32 $0x0;
	s19 =	simm.s32 $0x0;
	s11 =	simm.s32 $0x0  }
.LBB2_4:
0x43: {  	s20 =	sshll.u32 s19, $0x6  }
0x44: {  	s20 =	sadd.s32 s18, s20  }
0x45: {  	s20 =	sshrl.u32 s20, $0x3  }
0x46: {  	s22 =	sadd.s32 s3, s20  }
0x47: {  	[tilespmem:s11], [sflag:$0x2] =	stream.linear.gather [hbm4b:s22+s11], $0x40, $0x38;
	[tilespmem:$0x13D00] =	vst v63  }
0x48: {  	_ =	swait.ge [sflag:s30], $0x40  }
0x49: {  	[sflag:s30] =	ssyncset.done $0x0  }
0x4a: {  	s20 =	sadd.s32 s4, s20;
	[sflag:s30] =	ssyncadd.s32 $0xFFFFFFC0  }
0x4b: {  	[tilespmem:s31], [sflag:$0x2] =	stream.linear.gather [hbm4b:s20+s11], $0x40, $0x38;
	[tilespmem:$0x13D00] =	vst v63  }
0x4c: {  	_ =	swait.ge [sflag:s30], $0x40  }
0x4d: {  	[sflag:s30] =	ssyncset.done $0x0  }
0x4e: {  	[sflag:s30] =	ssyncadd.s32 $0xFFFFFFC0  }
0x4f: {  	[tilespmem:s14], [sflag:$0x1] =	stream.indirect.gather [hbm4b:s5+s0], $0x80, s11, s0, $0xb8;
	[tilespmem:$0x13D00] =	vst v63  }
0x50: {  	_ =	swait.ge [sflag:s15], $0x2000  }
0x51: {  	[sflag:s15] =	ssyncset.done $0x0  }
0x52: {  	[sflag:s15] =	ssyncadd.s32 $0xFFFFE000  }
0x53: {  	[tilespmem:s16], [sflag:$0x1] =	stream.indirect.gather [hbm4b:s6+s0], $0x80, s31, s0, $0xb8;
	[tilespmem:$0x13D00] =	vst v63  }
0x54: {  	_ =	swait.ge [sflag:s15], $0x2000  }
0x55: {  	[sflag:s15] =	ssyncset.done $0x0  }
0x56: {  	s20 =	simm.s32 $0x0;
	[sflag:s15] =	ssyncadd.s32 $0xFFFFE000  }
0x57: {  	v1 =	vld [tilespmem:s20+$0x100]  }
0x58: {  	v2 =	vld [tilespmem:s20+$0x2100];
	_ =	sdelay $0x4  }
0x59: {  	v1 =	vadd.f32 v2, v1;
	_ =	sdelay $0x1  }
0x5a: {  	s22 =	simm.s32 $0x80;
	v2 =	vmul.f32 $2.000000030e-01, v1  }
0x5b: {  	v3 =	vld [tilespmem:s22+$0x100]  }
0x5c: {  	v4 =	vld [tilespmem:s22+$0x2100];
	v1 =	vmax.f32 v1, v2  }
0x5d: {  	s24 =	simm.s32 $0x100;
	v1 =	vmul.f32 $1.442695020e+00, v1  }
0x5e: {  	v2 =	vld [tilespmem:s24+$0x100]  }
0x5f: {  	(erf) = vpow2.f32 v1;
	v1 =	vld [tilespmem:s24+$0x2100];
	_ =	sdelay $0x1  }
0x60: {  	v3 =	vadd.f32 v4, v3;
	_ =	sdelay $0x1  }
0x61: {  	v4 =	vmul.f32 $2.000000030e-01, v3  }
0x62: {  	v5 =	vadd.f32 v1, v2  }
0x63: {  	v1 =	vmax.f32 v3, v4  }
0x64: {  	s23 =	simm.s32 $0x180;
	v2 =	vmul.f32 $1.442695020e+00, v1;
	v3 =	vmul.f32 $2.000000030e-01, v5  }
0x65: {  	v1 =	vld [tilespmem:s23+$0x100]  }
0x66: {  	(erf) = vpow2.f32 v2;
	v2 =	vld [tilespmem:s23+$0x2100];
	_ =	sdelay $0x1  }
0x67: {  	s25 =	simm.s32 $0x800;
	v4 =	vmax.f32 v5, v3;
	v3 =	vpop (erf)  }
.LBB2_5:
0x68: {  	s26 =	sshra.s32 s25, $0x2  }
0x69: {  	v4 =	vmul.f32 $1.442695020e+00, v4;
	[tilespmem:s20+$0x4100] =	vst v3;
	s20 =	smov.u32 s22;
	s22 =	smov.u32 s24;
	p2 =	sne.s32 s25, $0x7E00  }
.Ltmp4:
0x6a: {  	s25 =	sadd.s32 $0x200, s25;
	v3 =	vadd.f32 v2, v1;
	v1 =	vld [tilespmem:s26+$0x100];
	(pc) =	sbr.rel @p2 .LBB2_5-.Ltmp4, $3  }
0x6b: {  	s24 =	smov.u32 s23;
	s23 =	smov.u32 s26;
	v2 =	vld [tilespmem:s26+$0x2100];
	(erf) = vpow2.f32 v4  }
0x6c: {  	v4 =	vmul.f32 $2.000000030e-01, v3;
	_ =	sdelay $0x1  }
0x6d: {  	v4 =	vmax.f32 v3, v4;
	v3 =	vpop (erf)  }
0x6e: {  	_ = 	snop  }
0x6f: {  	v1 =	vadd.f32 v2, v1;
	_ =	sdelay $0x1  }
0x70: {  	v2 =	vmul.f32 $2.000000030e-01, v1;
	_ =	sdelay $0x1  }
0x71: {  	v4 =	vmul.f32 $1.442695020e+00, v4;
	v1 =	vmax.f32 v1, v2  }
0x72: {  	v1 =	vmul.f32 $1.442695020e+00, v1  }
0x73: {  	(erf) = vpow2.f32 v4  }
0x74: {  	(erf) = vpow2.f32 v1;
	_ =	sdelay $0x6  }
0x75: {  	[tilespmem:s20+$0x4100] =	vst v3;
	v1 =	vpop (erf)  }
0x76: {  	s19 =	sadd.s32 $0x1, s19;
	[tilespmem:s22+$0x4100] =	vst v1;
	v1 =	vpop (erf)  }
0x77: {  	p2 =	seq.s32 s19, $0x9E;
	[tilespmem:s24+$0x4100] =	vst v1;
	v1 =	vpop (erf)  }
.Ltmp5:
0x78: {  	[tilespmem:s23+$0x4100] =	vst v1;
	(pc) =	sbr.rel @!p2 .LBB2_4-.Ltmp5, $4  }
0x79: {  	[spmem:s1] =	stream.indirect.scatter.add.f32 [tilespmem:s17], [sflag:$0x2], $0x80, s31, s0, $0xb8;
	[tilespmem:$0x13D00] =	vst v63  }
0x7a: {  	_ =	swait.ge [sflag:s30], $0x2000  }
0x7b: {  	[sflag:s30] =	ssyncset.done $0x0  }
0x7c: {  	[sflag:s30] =	ssyncadd.s32 $0xFFFFE000  }
.Ltmp6:
0x7d: {  	(pc) =	sbr.rel .LBB2_12-.Ltmp6, $2  }
0x7e: {  	_ =	sdelay $0x2  }
0x7f: {  	s11 =	rddreg [dreg:$0x4]  }
.LBB2_8:
0x80: {  	s19 =	sshll.u32 s20, $0x6  }
0x81: {  	s19 =	sadd.s32 s18, s19  }
0x82: {  	s19 =	sshrl.u32 s19, $0x3  }
0x83: {  	s22 =	sadd.s32 s8, s19  }
0x84: {  	[tilespmem:s11], [sflag:$0x2] =	stream.linear.gather [hbm4b:s22+s11], $0x40, $0x38;
	[tilespmem:$0x13D00] =	vst v63  }
0x85: {  	_ =	swait.ge [sflag:s30], $0x40  }
0x86: {  	[sflag:s30] =	ssyncset.done $0x0  }
0x87: {  	s19 =	sadd.s32 s9, s19;
	[sflag:s30] =	ssyncadd.s32 $0xFFFFFFC0  }
0x88: {  	[tilespmem:s31], [sflag:$0x2] =	stream.linear.gather [hbm4b:s19+s11], $0x40, $0x38;
	[tilespmem:$0x13D00] =	vst v63  }
0x89: {  	_ =	swait.ge [sflag:s30], $0x40  }
0x8a: {  	[sflag:s30] =	ssyncset.done $0x0  }
0x8b: {  	[sflag:s30] =	ssyncadd.s32 $0xFFFFFFC0  }
0x8c: {  	[tilespmem:s14], [sflag:$0x1] =	stream.indirect.gather [hbm4b:s10+s0], $0x80, s11, s0, $0xb8;
	[tilespmem:$0x13D00] =	vst v63  }
0x8d: {  	_ =	swait.ge [sflag:s15], $0x2000  }
0x8e: {  	[sflag:s15] =	ssyncset.done $0x0  }
0x8f: {  	[sflag:s15] =	ssyncadd.s32 $0xFFFFE000  }
0x90: {  	[tilespmem:s16], [sflag:$0x1] =	stream.indirect.gather [hbm4b:s12+s0], $0x80, s31, s0, $0xb8;
	[tilespmem:$0x13D00] =	vst v63  }
0x91: {  	_ =	swait.ge [sflag:s15], $0x2000  }
0x92: {  	[sflag:s15] =	ssyncset.done $0x0  }
0x93: {  	s19 =	simm.s32 $0x0;
	[sflag:s15] =	ssyncadd.s32 $0xFFFFE000  }
0x94: {  	v1 =	vld [tilespmem:s19+$0x100]  }
0x95: {  	v2 =	vld [tilespmem:s19+$0x2100];
	_ =	sdelay $0x4  }
0x96: {  	v1 =	vadd.f32 v2, v1;
	_ =	sdelay $0x1  }
0x97: {  	s22 =	simm.s32 $0x80;
	v2 =	vmul.f32 $2.000000030e-01, v1  }
0x98: {  	v3 =	vld [tilespmem:s22+$0x100]  }
0x99: {  	v4 =	vld [tilespmem:s22+$0x2100];
	v1 =	vmax.f32 v1, v2  }
0x9a: {  	s24 =	simm.s32 $0x100;
	v1 =	vmul.f32 $1.442695020e+00, v1  }
0x9b: {  	v2 =	vld [tilespmem:s24+$0x100]  }
0x9c: {  	(erf) = vpow2.f32 v1;
	v1 =	vld [tilespmem:s24+$0x2100];
	_ =	sdelay $0x1  }
0x9d: {  	v3 =	vadd.f32 v4, v3;
	_ =	sdelay $0x1  }
0x9e: {  	v4 =	vmul.f32 $2.000000030e-01, v3  }
0x9f: {  	v5 =	vadd.f32 v1, v2  }
0xa0: {  	v1 =	vmax.f32 v3, v4  }
0xa1: {  	s23 =	simm.s32 $0x180;
	v2 =	vmul.f32 $1.442695020e+00, v1;
	v3 =	vmul.f32 $2.000000030e-01, v5  }
0xa2: {  	v1 =	vld [tilespmem:s23+$0x100]  }
0xa3: {  	(erf) = vpow2.f32 v2;
	v2 =	vld [tilespmem:s23+$0x2100];
	_ =	sdelay $0x1  }
0xa4: {  	s25 =	simm.s32 $0x800;
	v4 =	vmax.f32 v5, v3;
	v3 =	vpop (erf)  }
.LBB2_9:
0xa5: {  	s26 =	sshra.s32 s25, $0x2  }
0xa6: {  	v4 =	vmul.f32 $1.442695020e+00, v4;
	[tilespmem:s19+$0x4100] =	vst v3;
	s19 =	smov.u32 s22;
	s22 =	smov.u32 s24;
	p2 =	sne.s32 s25, $0x7E00  }
.Ltmp7:
0xa7: {  	s25 =	sadd.s32 $0x200, s25;
	v3 =	vadd.f32 v2, v1;
	v1 =	vld [tilespmem:s26+$0x100];
	(pc) =	sbr.rel @p2 .LBB2_9-.Ltmp7, $3  }
0xa8: {  	s24 =	smov.u32 s23;
	s23 =	smov.u32 s26;
	v2 =	vld [tilespmem:s26+$0x2100];
	(erf) = vpow2.f32 v4  }
0xa9: {  	v4 =	vmul.f32 $2.000000030e-01, v3;
	_ =	sdelay $0x1  }
0xaa: {  	v4 =	vmax.f32 v3, v4;
	v3 =	vpop (erf)  }
0xab: {  	_ = 	snop  }
0xac: {  	v1 =	vadd.f32 v2, v1;
	_ =	sdelay $0x1  }
0xad: {  	v2 =	vmul.f32 $2.000000030e-01, v1;
	_ =	sdelay $0x1  }
0xae: {  	v4 =	vmul.f32 $1.442695020e+00, v4;
	v1 =	vmax.f32 v1, v2  }
0xaf: {  	v1 =	vmul.f32 $1.442695020e+00, v1  }
0xb0: {  	(erf) = vpow2.f32 v4  }
0xb1: {  	(erf) = vpow2.f32 v1;
	_ =	sdelay $0x6  }
0xb2: {  	[tilespmem:s19+$0x4100] =	vst v3;
	v1 =	vpop (erf)  }
0xb3: {  	s20 =	sadd.s32 $0x1, s20;
	[tilespmem:s22+$0x4100] =	vst v1;
	v1 =	vpop (erf)  }
0xb4: {  	p2 =	sne.s32 s20, $0x9E;
	[tilespmem:s24+$0x4100] =	vst v1;
	v1 =	vpop (erf)  }
.Ltmp8:
0xb5: {  	[tilespmem:s23+$0x4100] =	vst v1;
	(pc) =	sbr.rel @p2 .LBB2_8-.Ltmp8, $4  }
0xb6: {  	[spmem:s1] =	stream.indirect.scatter.add.f32 [tilespmem:s17], [sflag:$0x2], $0x80, s31, s0, $0xb8;
	[tilespmem:$0x13D00] =	vst v63  }
0xb7: {  	_ =	swait.ge [sflag:s30], $0x2000  }
0xb8: {  	[sflag:s30] =	ssyncset.done $0x0  }
0xb9: {  	[sflag:s30] =	ssyncadd.s32 $0xFFFFE000  }
0xba: {  	s11 =	rddreg [dreg:$0x6]  }
.LBB2_12:
0xbb: {  	s23 =	stileid.u32;
	[bflag:$0x0] =	sbarrier.arrive $0xFFFF  }
0xbc: {  	s20 =	sadd.s32 s11, s21;
	s11 =	sshll.u32 s23, $0x6;
	s19 =	rddreg [dreg:$0x7]  }
0xbd: {  	s11 =	sor.u32 $0x1C02, s11;
	s19 =	sshrl.u32 s19, $0x3  }
0xbe: {  	[hbm:s20], [sflag:s11] =	dma.local [spmem:s19], $0x1780  }
0xbf: {  	_ =	swait.ge [sflag:s30], $0x1780  }
0xc0: {  	[sflag:s30] =	ssyncset.done $0x0  }
0xc1: {  	[sflag:s30] =	ssyncadd.s32 $0xFFFFE880  }
0xc2: {  	[bflag:$0x0] =	sbarrier.arrive $0xFFFF  }
0xc3: {  	[spmem:s28] =	stream.linear.scatter [tilespmem:s29], [sflag:$0x2], $0x2000, $0x38;
	[tilespmem:$0x13D00] =	vst v63  }
0xc4: {  	_ =	swait.ge [sflag:s30], $0x2000  }
0xc5: {  	[sflag:s30] =	ssyncset.done $0x0  }
0xc6: {  	s24 =	rddreg [dreg:$0xb];
	[sflag:s30] =	ssyncadd.s32 $0xFFFFE000  }
0xc7: {  	[spmem:s24] =	stream.linear.scatter [tilespmem:s29], [sflag:$0x2], $0x2000, $0x38;
	[tilespmem:$0x13D00] =	vst v63  }
0xc8: {  	_ =	swait.ge [sflag:s30], $0x2000  }
0xc9: {  	[sflag:s30] =	ssyncset.done $0x0  }
0xca: {  	s25 =	rddreg [dreg:$0xc];
	[sflag:s30] =	ssyncadd.s32 $0xFFFFE000  }
0xcb: {  	[spmem:s25] =	stream.linear.scatter [tilespmem:s29], [sflag:$0x2], $0x2000, $0x38;
	[tilespmem:$0x13D00] =	vst v63  }
0xcc: {  	_ =	swait.ge [sflag:s30], $0x2000  }
0xcd: {  	[sflag:s30] =	ssyncset.done $0x0  }
0xce: {  	s26 =	rddreg [dreg:$0xe];
	[sflag:s30] =	ssyncadd.s32 $0xFFFFE000  }
0xcf: {  	[spmem:s26] =	stream.linear.scatter [tilespmem:s29], [sflag:$0x2], $0x2000, $0x38;
	[tilespmem:$0x13D00] =	vst v63  }
0xd0: {  	_ =	swait.ge [sflag:s30], $0x2000  }
0xd1: {  	[sflag:s30] =	ssyncset.done $0x0  }
0xd2: {  	s28 =	rddreg [dreg:$0xf];
	[sflag:s30] =	ssyncadd.s32 $0xFFFFE000  }
0xd3: {  	[spmem:s28] =	stream.linear.scatter [tilespmem:s29], [sflag:$0x2], $0x2000, $0x38;
	[tilespmem:$0x13D00] =	vst v63  }
0xd4: {  	_ =	swait.ge [sflag:s30], $0x2000  }
0xd5: {  	[sflag:s30] =	ssyncset.done $0x0  }
0xd6: {  	s20 =	simm.s32 @!p0 $0x6100;
	s21 =	rddreg [dreg:$0xd];
	[sflag:s30] =	ssyncadd.s32 $0xFFFFE000  }
0xd7: {  	[spmem:s21] =	stream.linear.scatter @!p0 [tilespmem:s20], [sflag:$0x2], $0x2000, $0x38;
	[tilespmem:$0x13D00] =	vst v63  }
0xd8: {  	s20 =	simm.s32 @!p0 $0x2  }
.Ltmp9:
0xd9: {  	_ =	swait.ge @!p0 [sflag:s20], $0x2000;
	(pc) =	sbr.rel @p1 .LBB2_17-.Ltmp9, $4  }
0xda: {  	[sflag:s20] =	ssyncset.done @!p0 $0x0  }
0xdb: {  	[sflag:s20] =	ssyncadd.s32 @!p0 $0xFFFFE000  }
0xdc: {  	[bflag:$0x0] =	sbarrier.arrive $0xFFFF  }
0xdd: {  	s22 =	simm.s32 $0x0;
	s23 =	simm.s32 $0x0;
	s20 =	simm.s32 $0x0  }
.LBB2_13:
0xde: {  	s23 =	sshll.u32 s20, $0x6  }
0xdf: {  	s23 =	sadd.s32 s18, s23  }
0xe0: {  	s23 =	sshrl.u32 s23, $0x3  }
0xe1: {  	s24 =	sadd.s32 s3, s23  }
0xe2: {  	[tilespmem:s22], [sflag:$0x2] =	stream.linear.gather [hbm4b:s24+s22], $0x40, $0x38;
	[tilespmem:$0x13D00] =	vst v63  }
0xe3: {  	_ =	swait.ge [sflag:s30], $0x40  }
0xe4: {  	[sflag:s30] =	ssyncset.done $0x0  }
0xe5: {  	s23 =	sadd.s32 s4, s23;
	[sflag:s30] =	ssyncadd.s32 $0xFFFFFFC0  }
0xe6: {  	[tilespmem:s31], [sflag:$0x2] =	stream.linear.gather [hbm4b:s23+s22], $0x40, $0x38;
	[tilespmem:$0x13D00] =	vst v63  }
0xe7: {  	_ =	swait.ge [sflag:s30], $0x40  }
0xe8: {  	[sflag:s30] =	ssyncset.done $0x0  }
0xe9: {  	[sflag:s30] =	ssyncadd.s32 $0xFFFFFFC0  }
0xea: {  	[tilespmem:s14], [sflag:$0x1] =	stream.indirect.gather [hbm4b:s5+s0], $0x80, s22, s0, $0xb8;
	[tilespmem:$0x13D00] =	vst v63  }
0xeb: {  	_ =	swait.ge [sflag:s15], $0x2000  }
0xec: {  	[sflag:s15] =	ssyncset.done $0x0  }
0xed: {  	[sflag:s15] =	ssyncadd.s32 $0xFFFFE000  }
0xee: {  	[tilespmem:s16], [sflag:$0x1] =	stream.indirect.gather [hbm4b:s6+s0], $0x80, s31, s0, $0xb8;
	[tilespmem:$0x13D00] =	vst v63  }
0xef: {  	_ =	swait.ge [sflag:s15], $0x2000  }
0xf0: {  	[sflag:s15] =	ssyncset.done $0x0  }
0xf1: {  	[sflag:s15] =	ssyncadd.s32 $0xFFFFE000  }
0xf2: {  	[tilespmem:s29], [sflag:$0x1] =	stream.indirect.gather [hbm4b:s7+s0], $0x80, s22, s0, $0xb8;
	[tilespmem:$0x13D00] =	vst v63  }
0xf3: {  	_ =	swait.ge [sflag:s15], $0x2000  }
0xf4: {  	[sflag:s15] =	ssyncset.done $0x0  }
0xf5: {  	s26 =	simm.s32 $0x0;
	[sflag:s15] =	ssyncadd.s32 $0xFFFFE000  }
0xf6: {  	v1 =	vld [tilespmem:s26+$0x2100]  }
0xf7: {  	v2 =	vld [tilespmem:s26+$0x100];
	_ =	sdelay $0x4  }
0xf8: {  	v1 =	vadd.f32 v1, v2;
	_ =	sdelay $0x1  }
0xf9: {  	v2 =	vmul.f32 $2.000000030e-01, v1;
	_ =	sdelay $0x1  }
0xfa: {  	v1 =	vmax.f32 v1, v2  }
0xfb: {  	v1 =	vmul.f32 $1.442695020e+00, v1  }
0xfc: {  	s25 =	simm.s32 $0x80  }
0xfd: {  	v2 =	vld [tilespmem:s25+$0x100];
	(erf) = vpow2.f32 v1  }
0xfe: {  	v1 =	vld [tilespmem:s25+$0x2100];
	_ =	sdelay $0x2  }
0xff: {  	s24 =	simm.s32 $0x100  }
0x100: {  	v3 =	vld [tilespmem:s24+$0x2100]  }
0x101: {  	v4 =	vld [tilespmem:s24+$0x100];
	v1 =	vadd.f32 v1, v2  }
0x102: {  	v5 =	vld [tilespmem:s26+$0x6110]  }
0x103: {  	v6 =	vld [tilespmem:s26+$0x6170];
	v2 =	vmul.f32 $2.000000030e-01, v1  }
0x104: {  	v8 =	vld [tilespmem:s26+$0x6150];
	v10 =	vpop (erf)  }
0x105: {  	v9 =	vld [tilespmem:s26+$0x6140];
	v1 =	vmax.f32 v1, v2;
	v7 =	vbroadcast v10, $0x1  }
0x106: {  	v11 =	vld [tilespmem:s26+$0x6100];
	v2 =	vmul.f32 $1.442695020e+00, v1  }
0x107: {  	v12 =	vld [tilespmem:s26+$0x6160];
	v5 =	vmul.f32 v7, v5  }
0x108: {  	s23 =	simm.s32 $0x180;
	v13 =	vld [tilespmem:s26+$0x6120];
	v7 =	vbroadcast v10, $0x7;
	(erf) = vpow2.f32 v2  }
0x109: {  	v1 =	vld [tilespmem:s23+$0x2100];
	[tilespmem:s26+$0x6110] =	vst v5;
	v5 =	vbroadcast v10, $0x5  }
0x10a: {  	v14 =	vld [tilespmem:s26+$0x6130];
	v6 =	vmul.f32 v6, v7  }
0x10b: {  	v15 =	vadd.f32 v3, v4;
	v2 =	vld [tilespmem:s23+$0x100];
	v5 =	vmul.f32 v8, v5  }
0x10c: {  	v4 =	vbroadcast v10, $0x4;
	v7 =	vld [tilespmem:s25+$0x6110];
	[tilespmem:s26+$0x6170] =	vst v6;
	v6 =	vbroadcast v10, $0x0  }
0x10d: {  	v8 =	vmul.f32 $2.000000030e-01, v15;
	v3 =	vld [tilespmem:s25+$0x6170];
	[tilespmem:s26+$0x6150] =	vst v5;
	v5 =	vbroadcast v10, $0x6  }
0x10e: {  	v16 =	vbroadcast v10, $0x2;
	v9 =	vmul.f32 v9, v4  }
0x10f: {  	v10 =	vbroadcast v10, $0x3;
	v17 =	vmul.f32 v6, v11;
	v6 =	vmax.f32 v15, v8  }
0x110: {  	v8 =	vmul.f32 $1.442695020e+00, v6;
	v15 =	vmul.f32 v12, v5  }
0x111: {  	v4 =	vld [tilespmem:s25+$0x6150];
	[tilespmem:s26+$0x6140] =	vst v9;
	v12 =	vmul.f32 v16, v13;
	v11 =	vmul.f32 v14, v10;
	v5 =	vpop (erf)  }
0x112: {  	v6 =	vld [tilespmem:s25+$0x6140];
	[tilespmem:s26+$0x6100] =	vst v17;
	(erf) = vpow2.f32 v8;
	v10 =	vbroadcast v5, $0x7  }
0x113: {  	s28 =	simm.s32 $0x800;
	v9 =	vld [tilespmem:s25+$0x6100];
	[tilespmem:s26+$0x6160] =	vst v15;
	v13 =	vbroadcast v5, $0x1;
	v8 =	vbroadcast v5, $0x6  }
.LBB2_14:
0x114: {  	s21 =	sshra.s32 s28, $0x2;
	p2 =	sne.s32 s28, $0x7E00;
	s28 =	sadd.s32 $0x200, s28;
	v14 =	vbroadcast v5, $0x2;
	v15 =	vbroadcast v5, $0x3;
	v16 =	vld [tilespmem:s25+$0x6160];
	[tilespmem:s26+$0x6120] =	vst v12  }
0x115: {  	v12 =	vadd.f32 v1, v2;
	v2 =	vmul.f32 v13, v7;
	v13 =	vld [tilespmem:s25+$0x6120];
	v7 =	vbroadcast v5, $0x5;
	[tilespmem:s26+$0x6130] =	vst v11;
	s26 =	smov.u32 s25;
	s25 =	smov.u32 s24;
	s24 =	smov.u32 s23  }
0x116: {  	v11 =	vbroadcast v5, $0x0;
	v5 =	vbroadcast v5, $0x4;
	s23 =	smov.u32 s21;
	v17 =	vld [tilespmem:s26+$0x6130]  }
0x117: {  	v3 =	vmul.f32 v3, v10;
	v18 =	vmul.f32 $2.000000030e-01, v12;
	v1 =	vld [tilespmem:s23+$0x2100];
	[tilespmem:s26+$0x6110] =	vst v2  }
0x118: {  	v4 =	vmul.f32 v4, v7;
	v2 =	vld [tilespmem:s23+$0x100];
	v9 =	vmul.f32 v11, v9  }
.Ltmp10:
0x119: {  	v6 =	vmul.f32 v6, v5;
	v10 =	vmax.f32 v12, v18;
	v7 =	vld [tilespmem:s25+$0x6110];
	[tilespmem:s26+$0x6170] =	vst v3;
	(pc) =	sbr.rel @p2 .LBB2_14-.Ltmp10, $4  }
0x11a: {  	v10 =	vmul.f32 $1.442695020e+00, v10;
	v16 =	vmul.f32 v16, v8;
	v3 =	vld [tilespmem:s25+$0x6170];
	[tilespmem:s26+$0x6150] =	vst v4  }
0x11b: {  	v12 =	vmul.f32 v14, v13;
	v4 =	vld [tilespmem:s25+$0x6150];
	v5 =	vpop (erf);
	v11 =	vmul.f32 v17, v15;
	[tilespmem:s26+$0x6140] =	vst v6  }
0x11c: {  	(erf) = vpow2.f32 v10;
	v6 =	vld [tilespmem:s25+$0x6140];
	v10 =	vbroadcast v5, $0x7;
	[tilespmem:s26+$0x6100] =	vst v9  }
0x11d: {  	v13 =	vbroadcast v5, $0x1;
	v8 =	vbroadcast v5, $0x6;
	v9 =	vld [tilespmem:s25+$0x6100];
	[tilespmem:s26+$0x6160] =	vst v16  }
0x11e: {  	v1 =	vadd.f32 v1, v2;
	_ =	sdelay $0x1  }
0x11f: {  	v39 =	vbroadcast v5, $0x5;
	v45 =	vmul.f32 $2.000000030e-01, v1  }
0x120: {  	v14 =	vld [tilespmem:s25+$0x6160];
	[tilespmem:s26+$0x6120] =	vst v12;
	v40 =	vbroadcast v5, $0x4;
	v7 =	vmul.f32 v13, v7  }
0x121: {  	v41 =	vbroadcast v5, $0x0;
	v12 =	vld [tilespmem:s25+$0x6120];
	[tilespmem:s26+$0x6130] =	vst v11;
	v3 =	vmul.f32 v3, v10;
	v1 =	vmax.f32 v1, v45  }
0x122: {  	v11 =	vld [tilespmem:s25+$0x6130];
	v4 =	vmul.f32 v4, v39;
	[tilespmem:s25+$0x6110] =	vst v7;
	v1 =	vmul.f32 $1.442695020e+00, v1  }
0x123: {  	v42 =	vbroadcast v5, $0x2;
	v6 =	vmul.f32 v6, v40;
	v7 =	vld [tilespmem:s24+$0x6110];
	[tilespmem:s25+$0x6170] =	vst v3  }
0x124: {  	v9 =	vmul.f32 v41, v9;
	v3 =	vld [tilespmem:s24+$0x6170];
	[tilespmem:s25+$0x6150] =	vst v4;
	v46 =	vpop (erf);
	(erf) = vpow2.f32 v1  }
0x125: {  	v43 =	vbroadcast v5, $0x3;
	v8 =	vmul.f32 v14, v8;
	v4 =	vld [tilespmem:s24+$0x6150];
	[tilespmem:s25+$0x6140] =	vst v6  }
0x126: {  	v44 =	vmul.f32 v42, v12;
	v6 =	vld [tilespmem:s24+$0x6140];
	[tilespmem:s25+$0x6100] =	vst v9;
	v48 =	vbroadcast v46, $0x1  }
0x127: {  	v5 =	vmul.f32 v11, v43;
	v2 =	vld [tilespmem:s24+$0x6100];
	[tilespmem:s25+$0x6160] =	vst v8;
	v49 =	vbroadcast v46, $0x7  }
0x128: {  	v50 =	vbroadcast v46, $0x5;
	v47 =	vld [tilespmem:s24+$0x6160];
	[tilespmem:s25+$0x6120] =	vst v44;
	v7 =	vmul.f32 v48, v7  }
0x129: {  	v51 =	vbroadcast v46, $0x4;
	v9 =	vld [tilespmem:s24+$0x6120];
	[tilespmem:s25+$0x6130] =	vst v5;
	v3 =	vmul.f32 v3, v49  }
0x12a: {  	v52 =	vbroadcast v46, $0x0;
	v5 =	vld [tilespmem:s24+$0x6130];
	v4 =	vmul.f32 v4, v50;
	[tilespmem:s24+$0x6110] =	vst v7  }
0x12b: {  	v53 =	vbroadcast v46, $0x6;
	v6 =	vmul.f32 v6, v51;
	v1 =	vld [tilespmem:s23+$0x6110];
	[tilespmem:s24+$0x6170] =	vst v3  }
0x12c: {  	v54 =	vbroadcast v46, $0x2;
	v2 =	vmul.f32 v52, v2;
	v3 =	vld [tilespmem:s23+$0x6170];
	[tilespmem:s24+$0x6150] =	vst v4  }
0x12d: {  	v10 =	vbroadcast v46, $0x3;
	v7 =	vmul.f32 v47, v53;
	v4 =	vld [tilespmem:s23+$0x6150];
	[tilespmem:s24+$0x6140] =	vst v6;
	v55 =	vpop (erf)  }
0x12e: {  	v8 =	vmul.f32 v54, v9;
	v6 =	vld [tilespmem:s23+$0x6140];
	[tilespmem:s24+$0x6100] =	vst v2;
	v57 =	vbroadcast v55, $0x1  }
0x12f: {  	v5 =	vmul.f32 v5, v10;
	v2 =	vld [tilespmem:s23+$0x6100];
	[tilespmem:s24+$0x6160] =	vst v7;
	v58 =	vbroadcast v55, $0x7  }
0x130: {  	v60 =	vbroadcast v55, $0x5;
	v56 =	vld [tilespmem:s23+$0x6160];
	[tilespmem:s24+$0x6120] =	vst v8;
	v1 =	vmul.f32 v57, v1  }
0x131: {  	v61 =	vbroadcast v55, $0x4;
	v59 =	vld [tilespmem:s23+$0x6120];
	[tilespmem:s24+$0x6130] =	vst v5;
	v3 =	vmul.f32 v3, v58  }
0x132: {  	v62 =	vbroadcast v55, $0x0;
	v5 =	vld [tilespmem:s23+$0x6130];
	[tilespmem:s23+$0x6110] =	vst v1;
	v1 =	vmul.f32 v4, v60  }
0x133: {  	v63 =	vbroadcast v55, $0x6;
	v6 =	vmul.f32 v6, v61;
	[tilespmem:s23+$0x6170] =	vst v3  }
0x134: {  	v3 =	vbroadcast v55, $0x2;
	v2 =	vmul.f32 v62, v2;
	[tilespmem:s23+$0x6150] =	vst v1  }
0x135: {  	v1 =	vbroadcast v55, $0x3;
	v4 =	vmul.f32 v56, v63;
	[tilespmem:s23+$0x6140] =	vst v6  }
0x136: {  	v3 =	vmul.f32 v3, v59;
	[tilespmem:s23+$0x6100] =	vst v2  }
0x137: {  	s20 =	sadd.s32 $0x1, s20;
	v1 =	vmul.f32 v5, v1;
	[tilespmem:s23+$0x6160] =	vst v4  }
0x138: {  	p2 =	seq.s32 s20, $0x9E;
	[tilespmem:s23+$0x6120] =	vst v3  }
.Ltmp11:
0x139: {  	[tilespmem:s23+$0x6130] =	vst v1;
	(pc) =	sbr.rel @!p2 .LBB2_13-.Ltmp11, $4  }
0x13a: {  	[spmem:s1] =	stream.indirect.scatter.add.f32 [tilespmem:s29], [sflag:$0x2], $0x80, s31, s0, $0xb8;
	[tilespmem:$0x13D00] =	vst v63  }
0x13b: {  	_ =	swait.ge [sflag:s30], $0x2000  }
0x13c: {  	[sflag:s30] =	ssyncset.done $0x0  }
0x13d: {  	[sflag:s30] =	ssyncadd.s32 $0xFFFFE000  }
.Ltmp12:
0x13e: {  	(pc) =	sbr.rel .LBB2_21-.Ltmp12, $2  }
0x13f: {  	_ =	sdelay $0x2  }
0x140: {  	s20 =	rddreg [dreg:$0x3]  }
.LBB2_17:
0x141: {  	s20 =	sshll.u32 s23, $0x6  }
0x142: {  	s20 =	sadd.s32 s18, s20  }
0x143: {  	s20 =	sshrl.u32 s20, $0x3  }
0x144: {  	s21 =	sadd.s32 s8, s20  }
0x145: {  	[tilespmem:s22], [sflag:$0x2] =	stream.linear.gather [hbm4b:s21+s22], $0x40, $0x38;
	[tilespmem:$0x13D00] =	vst v63  }
0x146: {  	_ =	swait.ge [sflag:s30], $0x40  }
0x147: {  	[sflag:s30] =	ssyncset.done $0x0  }
0x148: {  	s20 =	sadd.s32 s9, s20;
	[sflag:s30] =	ssyncadd.s32 $0xFFFFFFC0  }
0x149: {  	[tilespmem:s31], [sflag:$0x2] =	stream.linear.gather [hbm4b:s20+s22], $0x40, $0x38;
	[tilespmem:$0x13D00] =	vst v63  }
0x14a: {  	_ =	swait.ge [sflag:s30], $0x40  }
0x14b: {  	[sflag:s30] =	ssyncset.done $0x0  }
0x14c: {  	[sflag:s30] =	ssyncadd.s32 $0xFFFFFFC0  }
0x14d: {  	[tilespmem:s14], [sflag:$0x1] =	stream.indirect.gather [hbm4b:s10+s0], $0x80, s22, s0, $0xb8;
	[tilespmem:$0x13D00] =	vst v63  }
0x14e: {  	_ =	swait.ge [sflag:s15], $0x2000  }
0x14f: {  	[sflag:s15] =	ssyncset.done $0x0  }
0x150: {  	[sflag:s15] =	ssyncadd.s32 $0xFFFFE000  }
0x151: {  	[tilespmem:s16], [sflag:$0x1] =	stream.indirect.gather [hbm4b:s12+s0], $0x80, s31, s0, $0xb8;
	[tilespmem:$0x13D00] =	vst v63  }
0x152: {  	_ =	swait.ge [sflag:s15], $0x2000  }
0x153: {  	[sflag:s15] =	ssyncset.done $0x0  }
0x154: {  	[sflag:s15] =	ssyncadd.s32 $0xFFFFE000  }
0x155: {  	[tilespmem:s29], [sflag:$0x1] =	stream.indirect.gather [hbm4b:s13+s0], $0x80, s22, s0, $0xb8;
	[tilespmem:$0x13D00] =	vst v63  }
0x156: {  	_ =	swait.ge [sflag:s15], $0x2000  }
0x157: {  	[sflag:s15] =	ssyncset.done $0x0  }
0x158: {  	s26 =	simm.s32 $0x0;
	[sflag:s15] =	ssyncadd.s32 $0xFFFFE000  }
0x159: {  	v1 =	vld [tilespmem:s26+$0x2100]  }
0x15a: {  	v2 =	vld [tilespmem:s26+$0x100];
	_ =	sdelay $0x4  }
0x15b: {  	v1 =	vadd.f32 v1, v2;
	_ =	sdelay $0x1  }
0x15c: {  	v2 =	vmul.f32 $2.000000030e-01, v1;
	_ =	sdelay $0x1  }
0x15d: {  	v1 =	vmax.f32 v1, v2  }
0x15e: {  	v1 =	vmul.f32 $1.442695020e+00, v1  }
0x15f: {  	s25 =	simm.s32 $0x80  }
0x160: {  	v2 =	vld [tilespmem:s25+$0x100];
	(erf) = vpow2.f32 v1  }
0x161: {  	v1 =	vld [tilespmem:s25+$0x2100];
	_ =	sdelay $0x2  }
0x162: {  	s24 =	simm.s32 $0x100  }
0x163: {  	v3 =	vld [tilespmem:s24+$0x2100]  }
0x164: {  	v4 =	vld [tilespmem:s24+$0x100];
	v1 =	vadd.f32 v1, v2  }
0x165: {  	v5 =	vld [tilespmem:s26+$0x6110]  }
0x166: {  	v6 =	vld [tilespmem:s26+$0x6170];
	v2 =	vmul.f32 $2.000000030e-01, v1  }
0x167: {  	v8 =	vld [tilespmem:s26+$0x6150];
	v10 =	vpop (erf)  }
0x168: {  	v9 =	vld [tilespmem:s26+$0x6140];
	v1 =	vmax.f32 v1, v2;
	v7 =	vbroadcast v10, $0x1  }
0x169: {  	v11 =	vld [tilespmem:s26+$0x6100];
	v2 =	vmul.f32 $1.442695020e+00, v1  }
0x16a: {  	v12 =	vld [tilespmem:s26+$0x6160];
	v5 =	vmul.f32 v7, v5  }
0x16b: {  	s20 =	simm.s32 $0x180;
	v13 =	vld [tilespmem:s26+$0x6120];
	v7 =	vbroadcast v10, $0x7;
	(erf) = vpow2.f32 v2  }
0x16c: {  	v1 =	vld [tilespmem:s20+$0x2100];
	[tilespmem:s26+$0x6110] =	vst v5;
	v5 =	vbroadcast v10, $0x5  }
0x16d: {  	v14 =	vld [tilespmem:s26+$0x6130];
	v6 =	vmul.f32 v6, v7  }
0x16e: {  	v15 =	vadd.f32 v3, v4;
	v2 =	vld [tilespmem:s20+$0x100];
	v5 =	vmul.f32 v8, v5  }
0x16f: {  	v4 =	vbroadcast v10, $0x4;
	v7 =	vld [tilespmem:s25+$0x6110];
	[tilespmem:s26+$0x6170] =	vst v6;
	v6 =	vbroadcast v10, $0x0  }
0x170: {  	v8 =	vmul.f32 $2.000000030e-01, v15;
	v3 =	vld [tilespmem:s25+$0x6170];
	[tilespmem:s26+$0x6150] =	vst v5;
	v5 =	vbroadcast v10, $0x6  }
0x171: {  	v16 =	vbroadcast v10, $0x2;
	v9 =	vmul.f32 v9, v4  }
0x172: {  	v10 =	vbroadcast v10, $0x3;
	v17 =	vmul.f32 v6, v11;
	v6 =	vmax.f32 v15, v8  }
0x173: {  	v8 =	vmul.f32 $1.442695020e+00, v6;
	v15 =	vmul.f32 v12, v5  }
0x174: {  	v4 =	vld [tilespmem:s25+$0x6150];
	[tilespmem:s26+$0x6140] =	vst v9;
	v12 =	vmul.f32 v16, v13;
	v11 =	vmul.f32 v14, v10;
	v5 =	vpop (erf)  }
0x175: {  	v6 =	vld [tilespmem:s25+$0x6140];
	[tilespmem:s26+$0x6100] =	vst v17;
	(erf) = vpow2.f32 v8;
	v10 =	vbroadcast v5, $0x7  }
0x176: {  	s28 =	simm.s32 $0x800;
	v9 =	vld [tilespmem:s25+$0x6100];
	[tilespmem:s26+$0x6160] =	vst v15;
	v13 =	vbroadcast v5, $0x1;
	v8 =	vbroadcast v5, $0x6  }
.LBB2_18:
0x177: {  	s21 =	sshra.s32 s28, $0x2;
	p2 =	sne.s32 s28, $0x7E00;
	s28 =	sadd.s32 $0x200, s28;
	v14 =	vbroadcast v5, $0x2;
	v15 =	vbroadcast v5, $0x3;
	v16 =	vld [tilespmem:s25+$0x6160];
	[tilespmem:s26+$0x6120] =	vst v12  }
0x178: {  	v12 =	vadd.f32 v1, v2;
	v2 =	vmul.f32 v13, v7;
	v13 =	vld [tilespmem:s25+$0x6120];
	v7 =	vbroadcast v5, $0x5;
	[tilespmem:s26+$0x6130] =	vst v11;
	s26 =	smov.u32 s25;
	s25 =	smov.u32 s24;
	s24 =	smov.u32 s20  }
0x179: {  	v11 =	vbroadcast v5, $0x0;
	v5 =	vbroadcast v5, $0x4;
	s20 =	smov.u32 s21;
	v17 =	vld [tilespmem:s26+$0x6130]  }
0x17a: {  	v3 =	vmul.f32 v3, v10;
	v18 =	vmul.f32 $2.000000030e-01, v12;
	v1 =	vld [tilespmem:s20+$0x2100];
	[tilespmem:s26+$0x6110] =	vst v2  }
0x17b: {  	v4 =	vmul.f32 v4, v7;
	v2 =	vld [tilespmem:s20+$0x100];
	v9 =	vmul.f32 v11, v9  }
.Ltmp13:
0x17c: {  	v6 =	vmul.f32 v6, v5;
	v10 =	vmax.f32 v12, v18;
	v7 =	vld [tilespmem:s25+$0x6110];
	[tilespmem:s26+$0x6170] =	vst v3;
	(pc) =	sbr.rel @p2 .LBB2_18-.Ltmp13, $4  }
0x17d: {  	v10 =	vmul.f32 $1.442695020e+00, v10;
	v16 =	vmul.f32 v16, v8;
	v3 =	vld [tilespmem:s25+$0x6170];
	[tilespmem:s26+$0x6150] =	vst v4  }
0x17e: {  	v12 =	vmul.f32 v14, v13;
	v4 =	vld [tilespmem:s25+$0x6150];
	v5 =	vpop (erf);
	v11 =	vmul.f32 v17, v15;
	[tilespmem:s26+$0x6140] =	vst v6  }
0x17f: {  	(erf) = vpow2.f32 v10;
	v6 =	vld [tilespmem:s25+$0x6140];
	v10 =	vbroadcast v5, $0x7;
	[tilespmem:s26+$0x6100] =	vst v9  }
0x180: {  	v13 =	vbroadcast v5, $0x1;
	v8 =	vbroadcast v5, $0x6;
	v9 =	vld [tilespmem:s25+$0x6100];
	[tilespmem:s26+$0x6160] =	vst v16  }
0x181: {  	v1 =	vadd.f32 v1, v2;
	_ =	sdelay $0x1  }
0x182: {  	v39 =	vbroadcast v5, $0x5;
	v45 =	vmul.f32 $2.000000030e-01, v1  }
0x183: {  	v14 =	vld [tilespmem:s25+$0x6160];
	[tilespmem:s26+$0x6120] =	vst v12;
	v40 =	vbroadcast v5, $0x4;
	v7 =	vmul.f32 v13, v7  }
0x184: {  	v41 =	vbroadcast v5, $0x0;
	v12 =	vld [tilespmem:s25+$0x6120];
	[tilespmem:s26+$0x6130] =	vst v11;
	v3 =	vmul.f32 v3, v10;
	v1 =	vmax.f32 v1, v45  }
0x185: {  	v11 =	vld [tilespmem:s25+$0x6130];
	v4 =	vmul.f32 v4, v39;
	[tilespmem:s25+$0x6110] =	vst v7;
	v1 =	vmul.f32 $1.442695020e+00, v1  }
0x186: {  	v42 =	vbroadcast v5, $0x2;
	v6 =	vmul.f32 v6, v40;
	v7 =	vld [tilespmem:s24+$0x6110];
	[tilespmem:s25+$0x6170] =	vst v3  }
0x187: {  	v9 =	vmul.f32 v41, v9;
	v3 =	vld [tilespmem:s24+$0x6170];
	[tilespmem:s25+$0x6150] =	vst v4;
	v46 =	vpop (erf);
	(erf) = vpow2.f32 v1  }
0x188: {  	v43 =	vbroadcast v5, $0x3;
	v8 =	vmul.f32 v14, v8;
	v4 =	vld [tilespmem:s24+$0x6150];
	[tilespmem:s25+$0x6140] =	vst v6  }
0x189: {  	v44 =	vmul.f32 v42, v12;
	v6 =	vld [tilespmem:s24+$0x6140];
	[tilespmem:s25+$0x6100] =	vst v9;
	v48 =	vbroadcast v46, $0x1  }
0x18a: {  	v5 =	vmul.f32 v11, v43;
	v2 =	vld [tilespmem:s24+$0x6100];
	[tilespmem:s25+$0x6160] =	vst v8;
	v49 =	vbroadcast v46, $0x7  }
0x18b: {  	v50 =	vbroadcast v46, $0x5;
	v47 =	vld [tilespmem:s24+$0x6160];
	[tilespmem:s25+$0x6120] =	vst v44;
	v7 =	vmul.f32 v48, v7  }
0x18c: {  	v51 =	vbroadcast v46, $0x4;
	v9 =	vld [tilespmem:s24+$0x6120];
	[tilespmem:s25+$0x6130] =	vst v5;
	v3 =	vmul.f32 v3, v49  }
0x18d: {  	v52 =	vbroadcast v46, $0x0;
	v5 =	vld [tilespmem:s24+$0x6130];
	v4 =	vmul.f32 v4, v50;
	[tilespmem:s24+$0x6110] =	vst v7  }
0x18e: {  	v53 =	vbroadcast v46, $0x6;
	v6 =	vmul.f32 v6, v51;
	v1 =	vld [tilespmem:s20+$0x6110];
	[tilespmem:s24+$0x6170] =	vst v3  }
0x18f: {  	v54 =	vbroadcast v46, $0x2;
	v2 =	vmul.f32 v52, v2;
	v3 =	vld [tilespmem:s20+$0x6170];
	[tilespmem:s24+$0x6150] =	vst v4  }
0x190: {  	v10 =	vbroadcast v46, $0x3;
	v7 =	vmul.f32 v47, v53;
	v4 =	vld [tilespmem:s20+$0x6150];
	[tilespmem:s24+$0x6140] =	vst v6;
	v55 =	vpop (erf)  }
0x191: {  	v8 =	vmul.f32 v54, v9;
	v6 =	vld [tilespmem:s20+$0x6140];
	[tilespmem:s24+$0x6100] =	vst v2;
	v57 =	vbroadcast v55, $0x1  }
0x192: {  	v5 =	vmul.f32 v5, v10;
	v2 =	vld [tilespmem:s20+$0x6100];
	[tilespmem:s24+$0x6160] =	vst v7;
	v58 =	vbroadcast v55, $0x7  }
0x193: {  	v60 =	vbroadcast v55, $0x5;
	v56 =	vld [tilespmem:s20+$0x6160];
	[tilespmem:s24+$0x6120] =	vst v8;
	v1 =	vmul.f32 v57, v1  }
0x194: {  	v61 =	vbroadcast v55, $0x4;
	v59 =	vld [tilespmem:s20+$0x6120];
	[tilespmem:s24+$0x6130] =	vst v5;
	v3 =	vmul.f32 v3, v58  }
0x195: {  	v62 =	vbroadcast v55, $0x0;
	v5 =	vld [tilespmem:s20+$0x6130];
	[tilespmem:s20+$0x6110] =	vst v1;
	v1 =	vmul.f32 v4, v60  }
0x196: {  	v63 =	vbroadcast v55, $0x6;
	v6 =	vmul.f32 v6, v61;
	[tilespmem:s20+$0x6170] =	vst v3  }
0x197: {  	v3 =	vbroadcast v55, $0x2;
	v2 =	vmul.f32 v62, v2;
	[tilespmem:s20+$0x6150] =	vst v1  }
0x198: {  	v1 =	vbroadcast v55, $0x3;
	v4 =	vmul.f32 v56, v63;
	[tilespmem:s20+$0x6140] =	vst v6  }
0x199: {  	v3 =	vmul.f32 v3, v59;
	[tilespmem:s20+$0x6100] =	vst v2  }
0x19a: {  	s23 =	sadd.s32 $0x1, s23;
	v1 =	vmul.f32 v5, v1;
	[tilespmem:s20+$0x6160] =	vst v4  }
0x19b: {  	p2 =	sne.s32 s23, $0x9E;
	[tilespmem:s20+$0x6120] =	vst v3  }
.Ltmp14:
0x19c: {  	[tilespmem:s20+$0x6130] =	vst v1;
	(pc) =	sbr.rel @p2 .LBB2_17-.Ltmp14, $4  }
0x19d: {  	[spmem:s1] =	stream.indirect.scatter.add.f32 [tilespmem:s29], [sflag:$0x2], $0x80, s31, s0, $0xb8;
	[tilespmem:$0x13D00] =	vst v63  }
0x19e: {  	_ =	swait.ge [sflag:s30], $0x2000  }
0x19f: {  	[sflag:s30] =	ssyncset.done $0x0  }
0x1a0: {  	[sflag:s30] =	ssyncadd.s32 $0xFFFFE000  }
.Ltmp15:
0x1a1: {  	(pc) =	sbr.rel .LBB2_21-.Ltmp15, $2  }
0x1a2: {  	_ =	sdelay $0x2  }
0x1a3: {  	s20 =	rddreg [dreg:$0x5]  }
.LBB2_22:
0x1a4: {  	_ =	sfence.sel $0x180000  }
0x1a5: {  	[bflag:$0x0] =	sbarrier.arrive $0xFFFF  }
0x1a6: {  	_ =	strace $0x90000047  }
0x1a7: {  	s0 =	stileid.u32;
	[bflag:$0x2] =	sbarrier.arrive $0xFFFF  }
0x1a8: {  	p0 =	sne.s32 s0, $0x0;
	s0 =	rddreg [dreg:$0x2]  }
0x1a9: {  	s0 =	sadd.s32 @!p0 $0x100000, s0  }
0x1aa: {  	[sflag:s0] =	ssyncadd.tile.s32 @!p0 $0x1;
	_ =	shalt  }
.Lfunc_end2:
_tile_overlayer_lowered:
.L_overlay_start_2:
0x1ab: {  	(tag) =	ssettag $0x2  }
0x1ac: {  	s0 =	rddreg [dreg:$0x0];
	s2 =	stileid.u32  }
0x1ad: {  	s1 =	rddreg [dreg:$0x1];
	p0 =	sne.s32 s2, $0x0  }
0x1ae: {  	s3 =	rddreg [dreg:$0x2];
	[bflag:$0x3] =	sbarrier.arrive $0xFFFF;
	s2 =	simm.s32 @!p0 $0x1C02  }
0x1af: {  	[timem:s3], [sflag:s2] =	dma.local @!p0 [hbm:s0], s1  }
0x1b0: {  	s0 =	simm.s32 @!p0 $0x2  }
0x1b1: {  	_ =	swait.ge @!p0 [sflag:s0], s1  }
0x1b2: {  	s1 =	ssub.s32 @!p0 $0x0, s1;
	[sflag:s0] =	ssyncset.done @!p0 $0x0  }
0x1b3: {  	[sflag:s0] =	ssyncadd.s32 @!p0 s1  }
0x1b4: {  	[bflag:$0x3] =	sbarrier.arrive $0xFFFF  }
0x1b5: {  	_ =	shalt  }

</sc_bundles>
